<compile_context>
chip_gen: v7x
topology: tpu7x:2x2x1
jax: 0.10.2.dev20260603
libtpu: 0.0.44.dev20260713+nightly
codegen_flags: <defaults>
</compile_context>

<pallas_src>
import functools

import jax
import jax.numpy as jnp
from jax import lax
from jax.experimental import pallas as pl
from jax.experimental.pallas import tpu as pltpu
from jax.experimental.pallas import tpu_sc as plsc

N = 320000
M = 10000
D = 128

NC = 2
NS = 16
NW = NC * NS

ROWS_PT = N // NW
NBUF = 5
SCH = 80
SCPT = ROWS_PT // SCH
SHALF = 64
SNBUF = 4
SNG = SCPT // SNBUF
SREM = SCPT - SNG * SNBUF
CH = 80
CPT = ROWS_PT // CH
GNBUF = 4
NG = CPT // GNBUF
GREM = CPT - NG * GNBUF
MSA = 624
MREM = M - NS * MSA

_mesh = plsc.VectorSubcoreMesh(core_axis_name="c", subcore_axis_name="s")


@functools.partial(
    pl.kernel,
    out_type=jax.ShapeDtypeStruct((NC, M, D), jnp.float32),
    mesh=_mesh,
    scratch_types=[
        pltpu.VMEM((SHALF, SCH), jnp.int32),
        pltpu.VMEM((SNBUF, SCH, D), jnp.float32),
        pltpu.VMEM_SHARED((M, D), jnp.float32),
    ]
    + [pltpu.SemaphoreType.DMA] * SNBUF,
)
def _scatter_partials(mu_hbm, idx_hbm, zeros_hbm, out_hbm, idxblk, bufs, acc,
                      *lsems):
    cid = lax.axis_index("c")
    sid = lax.axis_index("s")
    wid = sid * NC + cid
    row0 = wid * ROWS_PT
    pltpu.sync_copy(idx_hbm.at[wid].at[pl.ds(0, SHALF)], idxblk)
    msl = pl.ds(sid * MSA, MSA)
    pltpu.sync_copy(zeros_hbm.at[msl], acc.at[msl])

    @pl.when(sid == 0)
    def _():
        rsl = pl.ds(NS * MSA, MREM)
        pltpu.sync_copy(zeros_hbm.at[rsl], acc.at[rsl])

    plsc.subcore_barrier()

    for b in range(SNBUF):
        pltpu.async_copy(mu_hbm.at[pl.ds(row0 + b * SCH, SCH)], bufs.at[b],
                         lsems[b])

    def body(g0, carry):
        @pl.when(g0 == SHALF // SNBUF)
        def _():
            pltpu.sync_copy(idx_hbm.at[wid].at[pl.ds(SHALF, SHALF)], idxblk)

        descs = []
        for b in range(SNBUF):
            j = g0 * SNBUF + b
            jloc = lax.select(j >= SHALF, j - SHALF, j)
            pltpu.make_async_copy(mu_hbm.at[pl.ds(0, SCH)], bufs.at[b],
                                  lsems[b]).wait()
            descs.append(
                pltpu.async_copy(bufs.at[b], acc.at[idxblk.at[jloc]],
                                 lsems[b], add=True))

        for b in range(SNBUF):
            jn = (g0 + 1) * SNBUF + b
            descs[b].wait()

            @pl.when(jn < SCPT)
            def _():
                pltpu.async_copy(mu_hbm.at[pl.ds(row0 + jn * SCH, SCH)],
                                 bufs.at[b], lsems[b])

        return carry

    lax.fori_loop(0, SNG, body, 0)
    rdescs = []
    for r in range(SREM):
        j = SNG * SNBUF + r
        pltpu.make_async_copy(mu_hbm.at[pl.ds(0, SCH)], bufs.at[r],
                              lsems[r]).wait()
        rdescs.append(
            pltpu.async_copy(bufs.at[r], acc.at[idxblk.at[j - SHALF]],
                             lsems[r], add=True))
    for d in rdescs:
        d.wait()
    plsc.subcore_barrier()
    pltpu.sync_copy(acc.at[msl], out_hbm.at[cid].at[msl])

    @pl.when(sid == 0)
    def _():
        rsl = pl.ds(NS * MSA, MREM)
        pltpu.sync_copy(acc.at[rsl], out_hbm.at[cid].at[rsl])


BM = 2000


def _combine_body(p_ref, obs_ref, gtab_ref, loss_ref):
    i = pl.program_id(0)
    g = p_ref[0] + p_ref[1] - obs_ref[...]
    gtab_ref[...] = g

    @pl.when(i == 0)
    def _():
        loss_ref[0, 0] = 0.0

    loss_ref[0, 0] += 0.5 * jnp.sum(g * g)


_combine = pl.pallas_call(
    _combine_body,
    grid=(M // BM,),
    in_specs=[
        pl.BlockSpec((2, BM, D), lambda i: (0, i, 0)),
        pl.BlockSpec((BM, D), lambda i: (i, 0)),
    ],
    out_specs=[
        pl.BlockSpec((BM, D), lambda i: (i, 0)),
        pl.BlockSpec(memory_space=pltpu.SMEM),
    ],
    out_shape=[
        jax.ShapeDtypeStruct((M, D), jnp.float32),
        jax.ShapeDtypeStruct((1, 1), jnp.float32),
    ],
)


@functools.partial(
    pl.kernel,
    out_type=jax.ShapeDtypeStruct((N, D), jnp.float32),
    mesh=_mesh,
    scratch_types=[
        pltpu.VMEM((ROWS_PT,), jnp.int32),
        pltpu.VMEM((GNBUF, CH, D), jnp.float32),
        pltpu.VMEM_SHARED((M, D), jnp.float32),
    ]
    + [pltpu.SemaphoreType.DMA] * (2 * GNBUF),
)
def _gather_grad(gtab_hbm, idx_hbm, out_hbm, idxblk, bufs, gsh, *sems):
    gsems, wsems = sems[:GNBUF], sems[GNBUF:]
    cid = lax.axis_index("c")
    sid = lax.axis_index("s")
    wid = sid * NC + cid
    row0 = wid * ROWS_PT
    pltpu.sync_copy(idx_hbm.at[pl.ds(row0, ROWS_PT)], idxblk)
    msl = pl.ds(sid * MSA, MSA)
    pltpu.sync_copy(gtab_hbm.at[msl], gsh.at[msl])

    @pl.when(sid == 0)
    def _():
        rsl = pl.ds(NS * MSA, MREM)
        pltpu.sync_copy(gtab_hbm.at[rsl], gsh.at[rsl])

    plsc.subcore_barrier()

    for b in range(GNBUF):
        pltpu.async_copy(gsh.at[idxblk.at[pl.ds(b * CH, CH)]], bufs.at[b],
                         gsems[b])

    def body(g0, carry):
        descs = []
        for b in range(GNBUF):
            j = g0 * GNBUF + b
            pltpu.make_async_copy(gtab_hbm.at[pl.ds(0, CH)], bufs.at[b],
                                  gsems[b]).wait()
            descs.append(
                pltpu.async_copy(bufs.at[b],
                                 out_hbm.at[pl.ds(row0 + j * CH, CH)],
                                 wsems[b]))

        for b in range(GNBUF):
            jn = (g0 + 1) * GNBUF + b
            descs[b].wait()

            @pl.when(jn < CPT)
            def _():
                pltpu.async_copy(gsh.at[idxblk.at[pl.ds(jn * CH, CH)]],
                                 bufs.at[b], gsems[b])

        return carry

    lax.fori_loop(0, NG, body, 0)
    rdescs = []
    for r in range(GREM):
        j = NG * GNBUF + r
        pltpu.make_async_copy(gtab_hbm.at[pl.ds(0, CH)], bufs.at[r],
                              gsems[r]).wait()
        rdescs.append(
            pltpu.async_copy(bufs.at[r], out_hbm.at[pl.ds(row0 + j * CH, CH)],
                             wsems[r]))
    for d in rdescs:
        d.wait()


def kernel(mu_0, obs, idx):
    idx_s = jnp.pad(idx.reshape(NW, SCPT, SCH),
                    ((0, 0), (0, 2 * SHALF - SCPT), (0, 0)))
    zeros = jnp.zeros((M, D), jnp.float32)
    partials = _scatter_partials(mu_0, idx_s, zeros)
    gtab, loss2d = _combine(partials, obs)
    grad = _gather_grad(gtab, idx)
    return loss2d[0, 0], grad

# --- scband reference (transcript-rebuilt; emitter-appended) ---
"""Pipeline reference for scband-linear-loss-58858231824862 (READ-ONLY COPY).

The authoritative reference and input builder live on the scoring server;
editing this copy changes nothing except your own understanding.
"""

import jax, jax.numpy as jnp
import numpy as np

N = 320000
M = 10000
D = 128
CONF = 1.0

# Concrete instantiation of LinearLoss with one clique marginal mu_0 of shape (N, D),
# one LinearObservation with obs shape (M, D), mapping=None, confidence=1.0, loss_type='l2'.
# TorchParentMeta: sum_dims=(), idx=0, b_doms=(M,), transpose=(0,1), transpose_undo=(0,1).
# _project_probs reduces to a scatter-add (index_add_) of mu_0 rows into M segment bins;
# _adjoint_project reduces to a row gather (index_select) by idx.

def setup_inputs(seed: int = 0) -> dict:
    key = jax.random.key(seed)
    k1, k2, k3 = jax.random.split(key, 3)
    mu_0 = jax.random.normal(k1, (N, D), dtype=jnp.float32)
    obs = jax.random.normal(k2, (M, D), dtype=jnp.float32)
    idx = jnp.sort(jax.random.randint(k3, (N,), 0, M, dtype=jnp.int32))
    return {"mu_0": mu_0, "obs": obs, "idx": idx}


def reference(mu_0, obs, idx):
    # _project_probs: sum_dims empty; transpose (0,1) is identity;
    # a_idx_dom=N, b_idx_dom=M, rest_dom=D; index_add_ -> scatter-add
    proc = mu_0.reshape((N, -1))
    proc = jnp.zeros((M, D), dtype=mu_0.dtype).at[idx].add(proc)
    # mapping is None
    diff = obs - proc
    # loss_type == 'l2'
    obs_loss = 0.5 * jnp.sum(diff * diff)
    loss = obs_loss * CONF
    # analytical gradient w.r.t. projected probs
    grad_proj = -diff * CONF
    # _adjoint_project: permute identity, reshape (M, D), index_select -> gather,
    # reshape (N, D), permute identity; sum_dims empty so no expand
    grad_mu = jnp.take(grad_proj.reshape((M, D)), idx, axis=0).reshape((N, D))
    return (loss, grad_mu)

if __name__ == "__main__":
    import jax
    _d = setup_inputs()
    print(jax.jit(kernel)(*tuple(_d.values())))

</pallas_src>

<mosaic_0001>
#map = affine_map<(d0, d1) -> (0, 0)>
#map1 = affine_map<(d0, d1) -> (0)>
module attributes {stable_mosaic.version = 14 : i64} {
  func.func @_gather_grad(%arg0: i32, %arg1: i32, %arg2: memref<10000x128xf32, #tpu.memory_space<hbm>>, %arg3: memref<320000xi32, #tpu.memory_space<hbm>>, %arg4: memref<320000x128xf32, #tpu.memory_space<hbm>>, %arg5: memref<10000xi32, #tpu.memory_space<vmem>>, %arg6: memref<4x80x128xf32, #tpu.memory_space<vmem>>, %arg7: memref<10000x128xf32, #tpu.memory_space<vmem_shared>>, %arg8: memref<!tpu.dma_semaphore, #tpu.memory_space<semaphore_mem>>, %arg9: memref<!tpu.dma_semaphore, #tpu.memory_space<semaphore_mem>>, %arg10: memref<!tpu.dma_semaphore, #tpu.memory_space<semaphore_mem>>, %arg11: memref<!tpu.dma_semaphore, #tpu.memory_space<semaphore_mem>>, %arg12: memref<!tpu.dma_semaphore, #tpu.memory_space<semaphore_mem>>, %arg13: memref<!tpu.dma_semaphore, #tpu.memory_space<semaphore_mem>>, %arg14: memref<!tpu.dma_semaphore, #tpu.memory_space<semaphore_mem>>, %arg15: memref<!tpu.dma_semaphore, #tpu.memory_space<semaphore_mem>>) attributes {dimension_semantics = [#tpu.dimension_semantics<core_parallel>, #tpu.dimension_semantics<subcore_parallel>], iteration_bounds = array<i64: 2, 16>, scalar_prefetch = 0 : i64, scratch_operands = 11 : i64, tpu.core_type = #tpu.core_type<sc_vector_subcore>, window_params = [{transform_indices = #map}, {transform_indices = #map1}, {transform_indices = #map}]} {
    %mul3A = arith.constant 2 : i32
    %mul3A_0 = arith.muli %arg1, %mul3A : i32
    %add3A = arith.addi %mul3A_0, %arg0 : i32
    %mul3A_1 = arith.constant 10000 : i32
    %mul3A_2 = arith.muli %add3A, %mul3A_1 : i32
    "tpu.region"() ({
      %run_scoped3A = tpu.sem_alloc : memref<!tpu.dma_semaphore, #tpu.memory_space<semaphore_mem>>
      %dma_start3A_93 = tpu.memref_slice %arg3[%mul3A_2] : memref<320000xi32, #tpu.memory_space<hbm>> -> memref<10000xi32, #tpu.memory_space<hbm>>
      %dma_start3A_94 = tpu.memref_slice %arg3[%mul3A_2] : memref<320000xi32, #tpu.memory_space<hbm>> -> memref<10000xi32, #tpu.memory_space<hbm>>
      tpu.enqueue_dma source(%dma_start3A_94 : memref<10000xi32, #tpu.memory_space<hbm>>) target(%arg5 : memref<10000xi32, #tpu.memory_space<vmem>>) target_semaphore(%run_scoped3A : memref<!tpu.dma_semaphore, #tpu.memory_space<semaphore_mem>>)
      %dma_wait3A_95 = tpu.memref_slice %arg3[%mul3A_2] : memref<320000xi32, #tpu.memory_space<hbm>> -> memref<10000xi32, #tpu.memory_space<hbm>>
      %dma_wait3A_96 = tpu.memref_slice %arg3[%mul3A_2] : memref<320000xi32, #tpu.memory_space<hbm>> -> memref<10000xi32, #tpu.memory_space<hbm>>
      tpu.wait_dma2 semaphore(%run_scoped3A : memref<!tpu.dma_semaphore, #tpu.memory_space<semaphore_mem>>) src(%dma_wait3A_96 : memref<10000xi32, #tpu.memory_space<hbm>>) dst(%arg5 : memref<10000xi32, #tpu.memory_space<vmem>>)
      tpu.yield
    }) : () -> ()
    %mul3A_3 = arith.constant 624 : i32
    %mul3A_4 = arith.muli %arg1, %mul3A_3 : i32
    "tpu.region"() ({
      %run_scoped3A = tpu.sem_alloc : memref<!tpu.dma_semaphore, #tpu.memory_space<semaphore_mem>>
      %dma_start3A_93 = arith.constant 0 : i32
      %dma_start3A_94 = tpu.memref_slice %arg7[%mul3A_4, %dma_start3A_93] : memref<10000x128xf32, #tpu.memory_space<vmem_shared>> -> memref<624x128xf32, #tpu.memory_space<vmem_shared>>
      %dma_start3A_95 = arith.constant 0 : i32
      %dma_start3A_96 = tpu.memref_slice %arg2[%mul3A_4, %dma_start3A_95] : memref<10000x128xf32, #tpu.memory_space<hbm>> -> memref<624x128xf32, #tpu.memory_space<hbm>>
      tpu.enqueue_dma source(%dma_start3A_96 : memref<624x128xf32, #tpu.memory_space<hbm>>) target(%dma_start3A_94 : memref<624x128xf32, #tpu.memory_space<vmem_shared>>) target_semaphore(%run_scoped3A : memref<!tpu.dma_semaphore, #tpu.memory_space<semaphore_mem>>)
      %dma_wait3A_97 = arith.constant 0 : i32
      %dma_wait3A_98 = tpu.memref_slice %arg7[%mul3A_4, %dma_wait3A_97] : memref<10000x128xf32, #tpu.memory_space<vmem_shared>> -> memref<624x128xf32, #tpu.memory_space<vmem_shared>>
      %dma_wait3A_99 = arith.constant 0 : i32
      %dma_wait3A_100 = tpu.memref_slice %arg2[%mul3A_4, %dma_wait3A_99] : memref<10000x128xf32, #tpu.memory_space<hbm>> -> memref<624x128xf32, #tpu.memory_space<hbm>>
      tpu.wait_dma2 semaphore(%run_scoped3A : memref<!tpu.dma_semaphore, #tpu.memory_space<semaphore_mem>>) src(%dma_wait3A_100 : memref<624x128xf32, #tpu.memory_space<hbm>>) dst(%dma_wait3A_98 : memref<624x128xf32, #tpu.memory_space<vmem_shared>>)
      tpu.yield
    }) : () -> ()
    %eq3A = arith.constant 0 : i32
    %eq3A_5 = arith.cmpi eq, %arg1, %eq3A : i32
    %convert_element_type3A = arith.extui %eq3A_5 : i1 to i32
    %cond3A = arith.constant 0 : i32
    %cond3A_6 = arith.cmpi ne, %convert_element_type3A, %cond3A : i32
    scf.if %cond3A_6 {
      "tpu.region"() ({
        %run_scoped3A = tpu.sem_alloc : memref<!tpu.dma_semaphore, #tpu.memory_space<semaphore_mem>>
        %dma_start3A_93 = arith.constant 9984 : i32
        %dma_start3A_94 = arith.constant 0 : i32
        %dma_start3A_95 = tpu.memref_slice %arg7[%dma_start3A_93, %dma_start3A_94] : memref<10000x128xf32, #tpu.memory_space<vmem_shared>> -> memref<16x128xf32, #tpu.memory_space<vmem_shared>>
        %dma_start3A_96 = arith.constant 9984 : i32
        %dma_start3A_97 = arith.constant 0 : i32
        %dma_start3A_98 = tpu.memref_slice %arg2[%dma_start3A_96, %dma_start3A_97] : memref<10000x128xf32, #tpu.memory_space<hbm>> -> memref<16x128xf32, #tpu.memory_space<hbm>>
        tpu.enqueue_dma source(%dma_start3A_98 : memref<16x128xf32, #tpu.memory_space<hbm>>) target(%dma_start3A_95 : memref<16x128xf32, #tpu.memory_space<vmem_shared>>) target_semaphore(%run_scoped3A : memref<!tpu.dma_semaphore, #tpu.memory_space<semaphore_mem>>)
        %dma_wait3A_99 = arith.constant 9984 : i32
        %dma_wait3A_100 = arith.constant 0 : i32
        %dma_wait3A_101 = tpu.memref_slice %arg7[%dma_wait3A_99, %dma_wait3A_100] : memref<10000x128xf32, #tpu.memory_space<vmem_shared>> -> memref<16x128xf32, #tpu.memory_space<vmem_shared>>
        %dma_wait3A_102 = arith.constant 9984 : i32
        %dma_wait3A_103 = arith.constant 0 : i32
        %dma_wait3A_104 = tpu.memref_slice %arg2[%dma_wait3A_102, %dma_wait3A_103] : memref<10000x128xf32, #tpu.memory_space<hbm>> -> memref<16x128xf32, #tpu.memory_space<hbm>>
        tpu.wait_dma2 semaphore(%run_scoped3A : memref<!tpu.dma_semaphore, #tpu.memory_space<semaphore_mem>>) src(%dma_wait3A_104 : memref<16x128xf32, #tpu.memory_space<hbm>>) dst(%dma_wait3A_101 : memref<16x128xf32, #tpu.memory_space<vmem_shared>>)
        tpu.yield
      }) : () -> ()
    } else {
    }
    %barrier3A = arith.constant 0 : index
    tpu.barrier barrier_id(%barrier3A)
    %dma_start3A = arith.constant 0 : i32
    %dma_start3A_7 = arith.constant 0 : i32
    %dma_start3A_8 = arith.constant 0 : i32
    %dma_start3A_9 = tpu.memref_slice %arg6[%dma_start3A, %dma_start3A_7, %dma_start3A_8] : memref<4x80x128xf32, #tpu.memory_space<vmem>> -> memref<1x80x128xf32, #tpu.memory_space<vmem>>
    %dma_start3A_10 = tpu.memref_squeeze %dma_start3A_9 : memref<1x80x128xf32, #tpu.memory_space<vmem>> -> memref<80x128xf32, #tpu.memory_space<vmem>>
    %dma_start3A_11 = arith.constant 0 : i32
    %dma_start3A_12 = tpu.memref_slice %arg5[%dma_start3A_11] : memref<10000xi32, #tpu.memory_space<vmem>> -> memref<80xi32, #tpu.memory_space<vmem>>
    %dma_start3A_13 = arith.constant 0 : i32
    %dma_start3A_14 = arith.constant 0 : i32
    %dma_start3A_15 = tpu.memref_slice %arg7[%dma_start3A_13, %dma_start3A_14] : memref<10000x128xf32, #tpu.memory_space<vmem_shared>> -> memref<10000x128xf32, #tpu.memory_space<vmem_shared>>
    tpu.enqueue_indirect_dma source(%dma_start3A_15 : memref<10000x128xf32, #tpu.memory_space<vmem_shared>>) target(%dma_start3A_10 : memref<80x128xf32, #tpu.memory_space<vmem>>) offsets(%dma_start3A_12 : memref<80xi32, #tpu.memory_space<vmem>>) semaphore(%arg8 : memref<!tpu.dma_semaphore, #tpu.memory_space<semaphore_mem>>)
    %dma_start3A_16 = arith.constant 1 : i32
    %dma_start3A_17 = arith.constant 0 : i32
    %dma_start3A_18 = arith.constant 0 : i32
    %dma_start3A_19 = tpu.memref_slice %arg6[%dma_start3A_16, %dma_start3A_17, %dma_start3A_18] : memref<4x80x128xf32, #tpu.memory_space<vmem>> -> memref<1x80x128xf32, #tpu.memory_space<vmem>>
    %dma_start3A_20 = tpu.memref_squeeze %dma_start3A_19 : memref<1x80x128xf32, #tpu.memory_space<vmem>> -> memref<80x128xf32, #tpu.memory_space<vmem>>
    %dma_start3A_21 = arith.constant 80 : i32
    %dma_start3A_22 = tpu.memref_slice %arg5[%dma_start3A_21] : memref<10000xi32, #tpu.memory_space<vmem>> -> memref<80xi32, #tpu.memory_space<vmem>>
    %dma_start3A_23 = arith.constant 0 : i32
    %dma_start3A_24 = arith.constant 0 : i32
    %dma_start3A_25 = tpu.memref_slice %arg7[%dma_start3A_23, %dma_start3A_24] : memref<10000x128xf32, #tpu.memory_space<vmem_shared>> -> memref<10000x128xf32, #tpu.memory_space<vmem_shared>>
    tpu.enqueue_indirect_dma source(%dma_start3A_25 : memref<10000x128xf32, #tpu.memory_space<vmem_shared>>) target(%dma_start3A_20 : memref<80x128xf32, #tpu.memory_space<vmem>>) offsets(%dma_start3A_22 : memref<80xi32, #tpu.memory_space<vmem>>) semaphore(%arg9 : memref<!tpu.dma_semaphore, #tpu.memory_space<semaphore_mem>>)
    %dma_start3A_26 = arith.constant 2 : i32
    %dma_start3A_27 = arith.constant 0 : i32
    %dma_start3A_28 = arith.constant 0 : i32
    %dma_start3A_29 = tpu.memref_slice %arg6[%dma_start3A_26, %dma_start3A_27, %dma_start3A_28] : memref<4x80x128xf32, #tpu.memory_space<vmem>> -> memref<1x80x128xf32, #tpu.memory_space<vmem>>
    %dma_start3A_30 = tpu.memref_squeeze %dma_start3A_29 : memref<1x80x128xf32, #tpu.memory_space<vmem>> -> memref<80x128xf32, #tpu.memory_space<vmem>>
    %dma_start3A_31 = arith.constant 160 : i32
    %dma_start3A_32 = tpu.memref_slice %arg5[%dma_start3A_31] : memref<10000xi32, #tpu.memory_space<vmem>> -> memref<80xi32, #tpu.memory_space<vmem>>
    %dma_start3A_33 = arith.constant 0 : i32
    %dma_start3A_34 = arith.constant 0 : i32
    %dma_start3A_35 = tpu.memref_slice %arg7[%dma_start3A_33, %dma_start3A_34] : memref<10000x128xf32, #tpu.memory_space<vmem_shared>> -> memref<10000x128xf32, #tpu.memory_space<vmem_shared>>
    tpu.enqueue_indirect_dma source(%dma_start3A_35 : memref<10000x128xf32, #tpu.memory_space<vmem_shared>>) target(%dma_start3A_30 : memref<80x128xf32, #tpu.memory_space<vmem>>) offsets(%dma_start3A_32 : memref<80xi32, #tpu.memory_space<vmem>>) semaphore(%arg10 : memref<!tpu.dma_semaphore, #tpu.memory_space<semaphore_mem>>)
    %dma_start3A_36 = arith.constant 3 : i32
    %dma_start3A_37 = arith.constant 0 : i32
    %dma_start3A_38 = arith.constant 0 : i32
    %dma_start3A_39 = tpu.memref_slice %arg6[%dma_start3A_36, %dma_start3A_37, %dma_start3A_38] : memref<4x80x128xf32, #tpu.memory_space<vmem>> -> memref<1x80x128xf32, #tpu.memory_space<vmem>>
    %dma_start3A_40 = tpu.memref_squeeze %dma_start3A_39 : memref<1x80x128xf32, #tpu.memory_space<vmem>> -> memref<80x128xf32, #tpu.memory_space<vmem>>
    %dma_start3A_41 = arith.constant 240 : i32
    %dma_start3A_42 = tpu.memref_slice %arg5[%dma_start3A_41] : memref<10000xi32, #tpu.memory_space<vmem>> -> memref<80xi32, #tpu.memory_space<vmem>>
    %dma_start3A_43 = arith.constant 0 : i32
    %dma_start3A_44 = arith.constant 0 : i32
    %dma_start3A_45 = tpu.memref_slice %arg7[%dma_start3A_43, %dma_start3A_44] : memref<10000x128xf32, #tpu.memory_space<vmem_shared>> -> memref<10000x128xf32, #tpu.memory_space<vmem_shared>>
    tpu.enqueue_indirect_dma source(%dma_start3A_45 : memref<10000x128xf32, #tpu.memory_space<vmem_shared>>) target(%dma_start3A_40 : memref<80x128xf32, #tpu.memory_space<vmem>>) offsets(%dma_start3A_42 : memref<80xi32, #tpu.memory_space<vmem>>) semaphore(%arg11 : memref<!tpu.dma_semaphore, #tpu.memory_space<semaphore_mem>>)
    %scan3A = arith.constant 0 : i32
    %scan3A_46 = arith.constant 0 : i32
    %scan3A_47 = arith.constant 31 : i32
    %scan3A_48 = arith.addi %scan3A_46, %scan3A_47 : i32
    %scan3A_49 = arith.constant 1 : i32
    scf.for %scan3A_93 = %scan3A_46 to %scan3A_48 step %scan3A_49  : i32 {
      %mul3A_94 = arith.constant 4 : i32
      %mul3A_95 = arith.muli %scan3A_93, %mul3A_94 : i32
      %add3A_96 = arith.constant 0 : i32
      %add3A_97 = arith.addi %mul3A_95, %add3A_96 : i32
      %dma_wait3A_98 = arith.constant 0 : i32
      %dma_wait3A_99 = arith.constant 0 : i32
      %dma_wait3A_100 = arith.constant 0 : i32
      %dma_wait3A_101 = tpu.memref_slice %arg6[%dma_wait3A_98, %dma_wait3A_99, %dma_wait3A_100] : memref<4x80x128xf32, #tpu.memory_space<vmem>> -> memref<1x80x128xf32, #tpu.memory_space<vmem>>
      %dma_wait3A_102 = tpu.memref_squeeze %dma_wait3A_101 : memref<1x80x128xf32, #tpu.memory_space<vmem>> -> memref<80x128xf32, #tpu.memory_space<vmem>>
      %dma_wait3A_103 = arith.constant 0 : i32
      %dma_wait3A_104 = arith.constant 0 : i32
      %dma_wait3A_105 = tpu.memref_slice %arg2[%dma_wait3A_103, %dma_wait3A_104] : memref<10000x128xf32, #tpu.memory_space<hbm>> -> memref<80x128xf32, #tpu.memory_space<hbm>>
      %dma_wait3A_106 = arith.constant 0 : i32
      %dma_wait3A_107 = arith.constant 0 : i32
      %dma_wait3A_108 = tpu.memref_slice %arg6[%dma_wait3A_98, %dma_wait3A_106, %dma_wait3A_107] : memref<4x80x128xf32, #tpu.memory_space<vmem>> -> memref<1x80x128xf32, #tpu.memory_space<vmem>>
      %dma_wait3A_109 = tpu.memref_squeeze %dma_wait3A_108 : memref<1x80x128xf32, #tpu.memory_space<vmem>> -> memref<80x128xf32, #tpu.memory_space<vmem>>
      %dma_wait3A_110 = arith.constant 0 : i32
      %dma_wait3A_111 = arith.constant 0 : i32
      %dma_wait3A_112 = tpu.memref_slice %arg2[%dma_wait3A_110, %dma_wait3A_111] : memref<10000x128xf32, #tpu.memory_space<hbm>> -> memref<80x128xf32, #tpu.memory_space<hbm>>
      tpu.wait_dma2 semaphore(%arg8 : memref<!tpu.dma_semaphore, #tpu.memory_space<semaphore_mem>>) src(%dma_wait3A_112 : memref<80x128xf32, #tpu.memory_space<hbm>>) dst(%dma_wait3A_109 : memref<80x128xf32, #tpu.memory_space<vmem>>)
      %mul3A_113 = arith.constant 80 : i32
      %mul3A_114 = arith.muli %add3A_97, %mul3A_113 : i32
      %add3A_115 = arith.addi %mul3A_2, %mul3A_114 : i32
      %dma_start3A_116 = arith.constant 0 : i32
      %dma_start3A_117 = arith.constant 0 : i32
      %dma_start3A_118 = arith.constant 0 : i32
      %dma_start3A_119 = tpu.memref_slice %arg6[%dma_start3A_116, %dma_start3A_117, %dma_start3A_118] : memref<4x80x128xf32, #tpu.memory_space<vmem>> -> memref<1x80x128xf32, #tpu.memory_space<vmem>>
      %dma_start3A_120 = tpu.memref_squeeze %dma_start3A_119 : memref<1x80x128xf32, #tpu.memory_space<vmem>> -> memref<80x128xf32, #tpu.memory_space<vmem>>
      %dma_start3A_121 = arith.constant 0 : i32
      %dma_start3A_122 = tpu.memref_slice %arg4[%add3A_115, %dma_start3A_121] : memref<320000x128xf32, #tpu.memory_space<hbm>> -> memref<80x128xf32, #tpu.memory_space<hbm>>
      %dma_start3A_123 = arith.constant 0 : i32
      %dma_start3A_124 = tpu.memref_slice %arg4[%add3A_115, %dma_start3A_123] : memref<320000x128xf32, #tpu.memory_space<hbm>> -> memref<80x128xf32, #tpu.memory_space<hbm>>
      %dma_start3A_125 = arith.constant 0 : i32
      %dma_start3A_126 = arith.constant 0 : i32
      %dma_start3A_127 = tpu.memref_slice %arg6[%dma_start3A_116, %dma_start3A_125, %dma_start3A_126] : memref<4x80x128xf32, #tpu.memory_space<vmem>> -> memref<1x80x128xf32, #tpu.memory_space<vmem>>
      %dma_start3A_128 = tpu.memref_squeeze %dma_start3A_127 : memref<1x80x128xf32, #tpu.memory_space<vmem>> -> memref<80x128xf32, #tpu.memory_space<vmem>>
      tpu.enqueue_dma source(%dma_start3A_128 : memref<80x128xf32, #tpu.memory_space<vmem>>) target(%dma_start3A_124 : memref<80x128xf32, #tpu.memory_space<hbm>>) target_semaphore(%arg12 : memref<!tpu.dma_semaphore, #tpu.memory_space<semaphore_mem>>)
      %mul3A_129 = arith.constant 4 : i32
      %mul3A_130 = arith.muli %scan3A_93, %mul3A_129 : i32
      %add3A_131 = arith.constant 1 : i32
      %add3A_132 = arith.addi %mul3A_130, %add3A_131 : i32
      %dma_wait3A_133 = arith.constant 1 : i32
      %dma_wait3A_134 = arith.constant 0 : i32
      %dma_wait3A_135 = arith.constant 0 : i32
      %dma_wait3A_136 = tpu.memref_slice %arg6[%dma_wait3A_133, %dma_wait3A_134, %dma_wait3A_135] : memref<4x80x128xf32, #tpu.memory_space<vmem>> -> memref<1x80x128xf32, #tpu.memory_space<vmem>>
      %dma_wait3A_137 = tpu.memref_squeeze %dma_wait3A_136 : memref<1x80x128xf32, #tpu.memory_space<vmem>> -> memref<80x128xf32, #tpu.memory_space<vmem>>
      %dma_wait3A_138 = arith.constant 0 : i32
      %dma_wait3A_139 = arith.constant 0 : i32
      %dma_wait3A_140 = tpu.memref_slice %arg2[%dma_wait3A_138, %dma_wait3A_139] : memref<10000x128xf32, #tpu.memory_space<hbm>> -> memref<80x128xf32, #tpu.memory_space<hbm>>
      %dma_wait3A_141 = arith.constant 0 : i32
      %dma_wait3A_142 = arith.constant 0 : i32
      %dma_wait3A_143 = tpu.memref_slice %arg6[%dma_wait3A_133, %dma_wait3A_141, %dma_wait3A_142] : memref<4x80x128xf32, #tpu.memory_space<vmem>> -> memref<1x80x128xf32, #tpu.memory_space<vmem>>
      %dma_wait3A_144 = tpu.memref_squeeze %dma_wait3A_143 : memref<1x80x128xf32, #tpu.memory_space<vmem>> -> memref<80x128xf32, #tpu.memory_space<vmem>>
      %dma_wait3A_145 = arith.constant 0 : i32
      %dma_wait3A_146 = arith.constant 0 : i32
      %dma_wait3A_147 = tpu.memref_slice %arg2[%dma_wait3A_145, %dma_wait3A_146] : memref<10000x128xf32, #tpu.memory_space<hbm>> -> memref<80x128xf32, #tpu.memory_space<hbm>>
      tpu.wait_dma2 semaphore(%arg9 : memref<!tpu.dma_semaphore, #tpu.memory_space<semaphore_mem>>) src(%dma_wait3A_147 : memref<80x128xf32, #tpu.memory_space<hbm>>) dst(%dma_wait3A_144 : memref<80x128xf32, #tpu.memory_space<vmem>>)
      %mul3A_148 = arith.constant 80 : i32
      %mul3A_149 = arith.muli %add3A_132, %mul3A_148 : i32
      %add3A_150 = arith.addi %mul3A_2, %mul3A_149 : i32
      %dma_start3A_151 = arith.constant 1 : i32
      %dma_start3A_152 = arith.constant 0 : i32
      %dma_start3A_153 = arith.constant 0 : i32
      %dma_start3A_154 = tpu.memref_slice %arg6[%dma_start3A_151, %dma_start3A_152, %dma_start3A_153] : memref<4x80x128xf32, #tpu.memory_space<vmem>> -> memref<1x80x128xf32, #tpu.memory_space<vmem>>
      %dma_start3A_155 = tpu.memref_squeeze %dma_start3A_154 : memref<1x80x128xf32, #tpu.memory_space<vmem>> -> memref<80x128xf32, #tpu.memory_space<vmem>>
      %dma_start3A_156 = arith.constant 0 : i32
      %dma_start3A_157 = tpu.memref_slice %arg4[%add3A_150, %dma_start3A_156] : memref<320000x128xf32, #tpu.memory_space<hbm>> -> memref<80x128xf32, #tpu.memory_space<hbm>>
      %dma_start3A_158 = arith.constant 0 : i32
      %dma_start3A_159 = tpu.memref_slice %arg4[%add3A_150, %dma_start3A_158] : memref<320000x128xf32, #tpu.memory_space<hbm>> -> memref<80x128xf32, #tpu.memory_space<hbm>>
      %dma_start3A_160 = arith.constant 0 : i32
      %dma_start3A_161 = arith.constant 0 : i32
      %dma_start3A_162 = tpu.memref_slice %arg6[%dma_start3A_151, %dma_start3A_160, %dma_start3A_161] : memref<4x80x128xf32, #tpu.memory_space<vmem>> -> memref<1x80x128xf32, #tpu.memory_space<vmem>>
      %dma_start3A_163 = tpu.memref_squeeze %dma_start3A_162 : memref<1x80x128xf32, #tpu.memory_space<vmem>> -> memref<80x128xf32, #tpu.memory_space<vmem>>
      tpu.enqueue_dma source(%dma_start3A_163 : memref<80x128xf32, #tpu.memory_space<vmem>>) target(%dma_start3A_159 : memref<80x128xf32, #tpu.memory_space<hbm>>) target_semaphore(%arg13 : memref<!tpu.dma_semaphore, #tpu.memory_space<semaphore_mem>>)
      %mul3A_164 = arith.constant 4 : i32
      %mul3A_165 = arith.muli %scan3A_93, %mul3A_164 : i32
      %add3A_166 = arith.constant 2 : i32
      %add3A_167 = arith.addi %mul3A_165, %add3A_166 : i32
      %dma_wait3A_168 = arith.constant 2 : i32
      %dma_wait3A_169 = arith.constant 0 : i32
      %dma_wait3A_170 = arith.constant 0 : i32
      %dma_wait3A_171 = tpu.memref_slice %arg6[%dma_wait3A_168, %dma_wait3A_169, %dma_wait3A_170] : memref<4x80x128xf32, #tpu.memory_space<vmem>> -> memref<1x80x128xf32, #tpu.memory_space<vmem>>
      %dma_wait3A_172 = tpu.memref_squeeze %dma_wait3A_171 : memref<1x80x128xf32, #tpu.memory_space<vmem>> -> memref<80x128xf32, #tpu.memory_space<vmem>>
      %dma_wait3A_173 = arith.constant 0 : i32
      %dma_wait3A_174 = arith.constant 0 : i32
      %dma_wait3A_175 = tpu.memref_slice %arg2[%dma_wait3A_173, %dma_wait3A_174] : memref<10000x128xf32, #tpu.memory_space<hbm>> -> memref<80x128xf32, #tpu.memory_space<hbm>>
      %dma_wait3A_176 = arith.constant 0 : i32
      %dma_wait3A_177 = arith.constant 0 : i32
      %dma_wait3A_178 = tpu.memref_slice %arg6[%dma_wait3A_168, %dma_wait3A_176, %dma_wait3A_177] : memref<4x80x128xf32, #tpu.memory_space<vmem>> -> memref<1x80x128xf32, #tpu.memory_space<vmem>>
      %dma_wait3A_179 = tpu.memref_squeeze %dma_wait3A_178 : memref<1x80x128xf32, #tpu.memory_space<vmem>> -> memref<80x128xf32, #tpu.memory_space<vmem>>
      %dma_wait3A_180 = arith.constant 0 : i32
      %dma_wait3A_181 = arith.constant 0 : i32
      %dma_wait3A_182 = tpu.memref_slice %arg2[%dma_wait3A_180, %dma_wait3A_181] : memref<10000x128xf32, #tpu.memory_space<hbm>> -> memref<80x128xf32, #tpu.memory_space<hbm>>
      tpu.wait_dma2 semaphore(%arg10 : memref<!tpu.dma_semaphore, #tpu.memory_space<semaphore_mem>>) src(%dma_wait3A_182 : memref<80x128xf32, #tpu.memory_space<hbm>>) dst(%dma_wait3A_179 : memref<80x128xf32, #tpu.memory_space<vmem>>)
      %mul3A_183 = arith.constant 80 : i32
      %mul3A_184 = arith.muli %add3A_167, %mul3A_183 : i32
      %add3A_185 = arith.addi %mul3A_2, %mul3A_184 : i32
      %dma_start3A_186 = arith.constant 2 : i32
      %dma_start3A_187 = arith.constant 0 : i32
      %dma_start3A_188 = arith.constant 0 : i32
      %dma_start3A_189 = tpu.memref_slice %arg6[%dma_start3A_186, %dma_start3A_187, %dma_start3A_188] : memref<4x80x128xf32, #tpu.memory_space<vmem>> -> memref<1x80x128xf32, #tpu.memory_space<vmem>>
      %dma_start3A_190 = tpu.memref_squeeze %dma_start3A_189 : memref<1x80x128xf32, #tpu.memory_space<vmem>> -> memref<80x128xf32, #tpu.memory_space<vmem>>
      %dma_start3A_191 = arith.constant 0 : i32
      %dma_start3A_192 = tpu.memref_slice %arg4[%add3A_185, %dma_start3A_191] : memref<320000x128xf32, #tpu.memory_space<hbm>> -> memref<80x128xf32, #tpu.memory_space<hbm>>
      %dma_start3A_193 = arith.constant 0 : i32
      %dma_start3A_194 = tpu.memref_slice %arg4[%add3A_185, %dma_start3A_193] : memref<320000x128xf32, #tpu.memory_space<hbm>> -> memref<80x128xf32, #tpu.memory_space<hbm>>
      %dma_start3A_195 = arith.constant 0 : i32
      %dma_start3A_196 = arith.constant 0 : i32
      %dma_start3A_197 = tpu.memref_slice %arg6[%dma_start3A_186, %dma_start3A_195, %dma_start3A_196] : memref<4x80x128xf32, #tpu.memory_space<vmem>> -> memref<1x80x128xf32, #tpu.memory_space<vmem>>
      %dma_start3A_198 = tpu.memref_squeeze %dma_start3A_197 : memref<1x80x128xf32, #tpu.memory_space<vmem>> -> memref<80x128xf32, #tpu.memory_space<vmem>>
      tpu.enqueue_dma source(%dma_start3A_198 : memref<80x128xf32, #tpu.memory_space<vmem>>) target(%dma_start3A_194 : memref<80x128xf32, #tpu.memory_space<hbm>>) target_semaphore(%arg14 : memref<!tpu.dma_semaphore, #tpu.memory_space<semaphore_mem>>)
      %mul3A_199 = arith.constant 4 : i32
      %mul3A_200 = arith.muli %scan3A_93, %mul3A_199 : i32
      %add3A_201 = arith.constant 3 : i32
      %add3A_202 = arith.addi %mul3A_200, %add3A_201 : i32
      %dma_wait3A_203 = arith.constant 3 : i32
      %dma_wait3A_204 = arith.constant 0 : i32
      %dma_wait3A_205 = arith.constant 0 : i32
      %dma_wait3A_206 = tpu.memref_slice %arg6[%dma_wait3A_203, %dma_wait3A_204, %dma_wait3A_205] : memref<4x80x128xf32, #tpu.memory_space<vmem>> -> memref<1x80x128xf32, #tpu.memory_space<vmem>>
      %dma_wait3A_207 = tpu.memref_squeeze %dma_wait3A_206 : memref<1x80x128xf32, #tpu.memory_space<vmem>> -> memref<80x128xf32, #tpu.memory_space<vmem>>
      %dma_wait3A_208 = arith.constant 0 : i32
      %dma_wait3A_209 = arith.constant 0 : i32
      %dma_wait3A_210 = tpu.memref_slice %arg2[%dma_wait3A_208, %dma_wait3A_209] : memref<10000x128xf32, #tpu.memory_space<hbm>> -> memref<80x128xf32, #tpu.memory_space<hbm>>
      %dma_wait3A_211 = arith.constant 0 : i32
      %dma_wait3A_212 = arith.constant 0 : i32
      %dma_wait3A_213 = tpu.memref_slice %arg6[%dma_wait3A_203, %dma_wait3A_211, %dma_wait3A_212] : memref<4x80x128xf32, #tpu.memory_space<vmem>> -> memref<1x80x128xf32, #tpu.memory_space<vmem>>
      %dma_wait3A_214 = tpu.memref_squeeze %dma_wait3A_213 : memref<1x80x128xf32, #tpu.memory_space<vmem>> -> memref<80x128xf32, #tpu.memory_space<vmem>>
      %dma_wait3A_215 = arith.constant 0 : i32
      %dma_wait3A_216 = arith.constant 0 : i32
      %dma_wait3A_217 = tpu.memref_slice %arg2[%dma_wait3A_215, %dma_wait3A_216] : memref<10000x128xf32, #tpu.memory_space<hbm>> -> memref<80x128xf32, #tpu.memory_space<hbm>>
      tpu.wait_dma2 semaphore(%arg11 : memref<!tpu.dma_semaphore, #tpu.memory_space<semaphore_mem>>) src(%dma_wait3A_217 : memref<80x128xf32, #tpu.memory_space<hbm>>) dst(%dma_wait3A_214 : memref<80x128xf32, #tpu.memory_space<vmem>>)
      %mul3A_218 = arith.constant 80 : i32
      %mul3A_219 = arith.muli %add3A_202, %mul3A_218 : i32
      %add3A_220 = arith.addi %mul3A_2, %mul3A_219 : i32
      %dma_start3A_221 = arith.constant 3 : i32
      %dma_start3A_222 = arith.constant 0 : i32
      %dma_start3A_223 = arith.constant 0 : i32
      %dma_start3A_224 = tpu.memref_slice %arg6[%dma_start3A_221, %dma_start3A_222, %dma_start3A_223] : memref<4x80x128xf32, #tpu.memory_space<vmem>> -> memref<1x80x128xf32, #tpu.memory_space<vmem>>
      %dma_start3A_225 = tpu.memref_squeeze %dma_start3A_224 : memref<1x80x128xf32, #tpu.memory_space<vmem>> -> memref<80x128xf32, #tpu.memory_space<vmem>>
      %dma_start3A_226 = arith.constant 0 : i32
      %dma_start3A_227 = tpu.memref_slice %arg4[%add3A_220, %dma_start3A_226] : memref<320000x128xf32, #tpu.memory_space<hbm>> -> memref<80x128xf32, #tpu.memory_space<hbm>>
      %dma_start3A_228 = arith.constant 0 : i32
      %dma_start3A_229 = tpu.memref_slice %arg4[%add3A_220, %dma_start3A_228] : memref<320000x128xf32, #tpu.memory_space<hbm>> -> memref<80x128xf32, #tpu.memory_space<hbm>>
      %dma_start3A_230 = arith.constant 0 : i32
      %dma_start3A_231 = arith.constant 0 : i32
      %dma_start3A_232 = tpu.memref_slice %arg6[%dma_start3A_221, %dma_start3A_230, %dma_start3A_231] : memref<4x80x128xf32, #tpu.memory_space<vmem>> -> memref<1x80x128xf32, #tpu.memory_space<vmem>>
      %dma_start3A_233 = tpu.memref_squeeze %dma_start3A_232 : memref<1x80x128xf32, #tpu.memory_space<vmem>> -> memref<80x128xf32, #tpu.memory_space<vmem>>
      tpu.enqueue_dma source(%dma_start3A_233 : memref<80x128xf32, #tpu.memory_space<vmem>>) target(%dma_start3A_229 : memref<80x128xf32, #tpu.memory_space<hbm>>) target_semaphore(%arg15 : memref<!tpu.dma_semaphore, #tpu.memory_space<semaphore_mem>>)
      %add3A_234 = arith.constant 1 : i32
      %add3A_235 = arith.addi %scan3A_93, %add3A_234 : i32
      %mul3A_236 = arith.constant 4 : i32
      %mul3A_237 = arith.muli %add3A_235, %mul3A_236 : i32
      %add3A_238 = arith.constant 0 : i32
      %add3A_239 = arith.addi %mul3A_237, %add3A_238 : i32
      %dma_wait3A_240 = arith.constant 0 : i32
      %dma_wait3A_241 = arith.constant 0 : i32
      %dma_wait3A_242 = arith.constant 0 : i32
      %dma_wait3A_243 = tpu.memref_slice %arg6[%dma_wait3A_240, %dma_wait3A_241, %dma_wait3A_242] : memref<4x80x128xf32, #tpu.memory_space<vmem>> -> memref<1x80x128xf32, #tpu.memory_space<vmem>>
      %dma_wait3A_244 = tpu.memref_squeeze %dma_wait3A_243 : memref<1x80x128xf32, #tpu.memory_space<vmem>> -> memref<80x128xf32, #tpu.memory_space<vmem>>
      %dma_wait3A_245 = arith.constant 0 : i32
      %dma_wait3A_246 = tpu.memref_slice %arg4[%add3A_115, %dma_wait3A_245] : memref<320000x128xf32, #tpu.memory_space<hbm>> -> memref<80x128xf32, #tpu.memory_space<hbm>>
      %dma_wait3A_247 = arith.constant 0 : i32
      %dma_wait3A_248 = tpu.memref_slice %arg4[%add3A_115, %dma_wait3A_247] : memref<320000x128xf32, #tpu.memory_space<hbm>> -> memref<80x128xf32, #tpu.memory_space<hbm>>
      %dma_wait3A_249 = arith.constant 0 : i32
      %dma_wait3A_250 = arith.constant 0 : i32
      %dma_wait3A_251 = tpu.memref_slice %arg6[%dma_wait3A_240, %dma_wait3A_249, %dma_wait3A_250] : memref<4x80x128xf32, #tpu.memory_space<vmem>> -> memref<1x80x128xf32, #tpu.memory_space<vmem>>
      %dma_wait3A_252 = tpu.memref_squeeze %dma_wait3A_251 : memref<1x80x128xf32, #tpu.memory_space<vmem>> -> memref<80x128xf32, #tpu.memory_space<vmem>>
      tpu.wait_dma2 semaphore(%arg12 : memref<!tpu.dma_semaphore, #tpu.memory_space<semaphore_mem>>) src(%dma_wait3A_252 : memref<80x128xf32, #tpu.memory_space<vmem>>) dst(%dma_wait3A_248 : memref<80x128xf32, #tpu.memory_space<hbm>>)
      %lt3A = arith.constant 125 : i32
      %lt3A_253 = arith.cmpi slt, %add3A_239, %lt3A : i32
      %convert_element_type3A_254 = arith.extui %lt3A_253 : i1 to i32
      %cond3A_255 = arith.constant 0 : i32
      %cond3A_256 = arith.cmpi ne, %convert_element_type3A_254, %cond3A_255 : i32
      scf.if %cond3A_256 {
        %mul3A_329 = arith.constant 80 : i32
        %mul3A_330 = arith.muli %add3A_239, %mul3A_329 : i32
        %dma_start3A_331 = arith.constant 0 : i32
        %dma_start3A_332 = arith.constant 0 : i32
        %dma_start3A_333 = arith.constant 0 : i32
        %dma_start3A_334 = tpu.memref_slice %arg6[%dma_start3A_331, %dma_start3A_332, %dma_start3A_333] : memref<4x80x128xf32, #tpu.memory_space<vmem>> -> memref<1x80x128xf32, #tpu.memory_space<vmem>>
        %dma_start3A_335 = tpu.memref_squeeze %dma_start3A_334 : memref<1x80x128xf32, #tpu.memory_space<vmem>> -> memref<80x128xf32, #tpu.memory_space<vmem>>
        %dma_start3A_336 = tpu.memref_slice %arg5[%mul3A_330] : memref<10000xi32, #tpu.memory_space<vmem>> -> memref<80xi32, #tpu.memory_space<vmem>>
        %dma_start3A_337 = arith.constant 0 : i32
        %dma_start3A_338 = arith.constant 0 : i32
        %dma_start3A_339 = tpu.memref_slice %arg7[%dma_start3A_337, %dma_start3A_338] : memref<10000x128xf32, #tpu.memory_space<vmem_shared>> -> memref<10000x128xf32, #tpu.memory_space<vmem_shared>>
        tpu.enqueue_indirect_dma source(%dma_start3A_339 : memref<10000x128xf32, #tpu.memory_space<vmem_shared>>) target(%dma_start3A_335 : memref<80x128xf32, #tpu.memory_space<vmem>>) offsets(%dma_start3A_336 : memref<80xi32, #tpu.memory_space<vmem>>) semaphore(%arg8 : memref<!tpu.dma_semaphore, #tpu.memory_space<semaphore_mem>>)
      } else {
      }
      %add3A_257 = arith.constant 1 : i32
      %add3A_258 = arith.addi %scan3A_93, %add3A_257 : i32
      %mul3A_259 = arith.constant 4 : i32
      %mul3A_260 = arith.muli %add3A_258, %mul3A_259 : i32
      %add3A_261 = arith.constant 1 : i32
      %add3A_262 = arith.addi %mul3A_260, %add3A_261 : i32
      %dma_wait3A_263 = arith.constant 1 : i32
      %dma_wait3A_264 = arith.constant 0 : i32
      %dma_wait3A_265 = arith.constant 0 : i32
      %dma_wait3A_266 = tpu.memref_slice %arg6[%dma_wait3A_263, %dma_wait3A_264, %dma_wait3A_265] : memref<4x80x128xf32, #tpu.memory_space<vmem>> -> memref<1x80x128xf32, #tpu.memory_space<vmem>>
      %dma_wait3A_267 = tpu.memref_squeeze %dma_wait3A_266 : memref<1x80x128xf32, #tpu.memory_space<vmem>> -> memref<80x128xf32, #tpu.memory_space<vmem>>
      %dma_wait3A_268 = arith.constant 0 : i32
      %dma_wait3A_269 = tpu.memref_slice %arg4[%add3A_150, %dma_wait3A_268] : memref<320000x128xf32, #tpu.memory_space<hbm>> -> memref<80x128xf32, #tpu.memory_space<hbm>>
      %dma_wait3A_270 = arith.constant 0 : i32
      %dma_wait3A_271 = tpu.memref_slice %arg4[%add3A_150, %dma_wait3A_270] : memref<320000x128xf32, #tpu.memory_space<hbm>> -> memref<80x128xf32, #tpu.memory_space<hbm>>
      %dma_wait3A_272 = arith.constant 0 : i32
      %dma_wait3A_273 = arith.constant 0 : i32
      %dma_wait3A_274 = tpu.memref_slice %arg6[%dma_wait3A_263, %dma_wait3A_272, %dma_wait3A_273] : memref<4x80x128xf32, #tpu.memory_space<vmem>> -> memref<1x80x128xf32, #tpu.memory_space<vmem>>
      %dma_wait3A_275 = tpu.memref_squeeze %dma_wait3A_274 : memref<1x80x128xf32, #tpu.memory_space<vmem>> -> memref<80x128xf32, #tpu.memory_space<vmem>>
      tpu.wait_dma2 semaphore(%arg13 : memref<!tpu.dma_semaphore, #tpu.memory_space<semaphore_mem>>) src(%dma_wait3A_275 : memref<80x128xf32, #tpu.memory_space<vmem>>) dst(%dma_wait3A_271 : memref<80x128xf32, #tpu.memory_space<hbm>>)
      %lt3A_276 = arith.constant 125 : i32
      %lt3A_277 = arith.cmpi slt, %add3A_262, %lt3A_276 : i32
      %convert_element_type3A_278 = arith.extui %lt3A_277 : i1 to i32
      %cond3A_279 = arith.constant 0 : i32
      %cond3A_280 = arith.cmpi ne, %convert_element_type3A_278, %cond3A_279 : i32
      scf.if %cond3A_280 {
        %mul3A_329 = arith.constant 80 : i32
        %mul3A_330 = arith.muli %add3A_262, %mul3A_329 : i32
        %dma_start3A_331 = arith.constant 1 : i32
        %dma_start3A_332 = arith.constant 0 : i32
        %dma_start3A_333 = arith.constant 0 : i32
        %dma_start3A_334 = tpu.memref_slice %arg6[%dma_start3A_331, %dma_start3A_332, %dma_start3A_333] : memref<4x80x128xf32, #tpu.memory_space<vmem>> -> memref<1x80x128xf32, #tpu.memory_space<vmem>>
        %dma_start3A_335 = tpu.memref_squeeze %dma_start3A_334 : memref<1x80x128xf32, #tpu.memory_space<vmem>> -> memref<80x128xf32, #tpu.memory_space<vmem>>
        %dma_start3A_336 = tpu.memref_slice %arg5[%mul3A_330] : memref<10000xi32, #tpu.memory_space<vmem>> -> memref<80xi32, #tpu.memory_space<vmem>>
        %dma_start3A_337 = arith.constant 0 : i32
        %dma_start3A_338 = arith.constant 0 : i32
        %dma_start3A_339 = tpu.memref_slice %arg7[%dma_start3A_337, %dma_start3A_338] : memref<10000x128xf32, #tpu.memory_space<vmem_shared>> -> memref<10000x128xf32, #tpu.memory_space<vmem_shared>>
        tpu.enqueue_indirect_dma source(%dma_start3A_339 : memref<10000x128xf32, #tpu.memory_space<vmem_shared>>) target(%dma_start3A_335 : memref<80x128xf32, #tpu.memory_space<vmem>>) offsets(%dma_start3A_336 : memref<80xi32, #tpu.memory_space<vmem>>) semaphore(%arg9 : memref<!tpu.dma_semaphore, #tpu.memory_space<semaphore_mem>>)
      } else {
      }
      %add3A_281 = arith.constant 1 : i32
      %add3A_282 = arith.addi %scan3A_93, %add3A_281 : i32
      %mul3A_283 = arith.constant 4 : i32
      %mul3A_284 = arith.muli %add3A_282, %mul3A_283 : i32
      %add3A_285 = arith.constant 2 : i32
      %add3A_286 = arith.addi %mul3A_284, %add3A_285 : i32
      %dma_wait3A_287 = arith.constant 2 : i32
      %dma_wait3A_288 = arith.constant 0 : i32
      %dma_wait3A_289 = arith.constant 0 : i32
      %dma_wait3A_290 = tpu.memref_slice %arg6[%dma_wait3A_287, %dma_wait3A_288, %dma_wait3A_289] : memref<4x80x128xf32, #tpu.memory_space<vmem>> -> memref<1x80x128xf32, #tpu.memory_space<vmem>>
      %dma_wait3A_291 = tpu.memref_squeeze %dma_wait3A_290 : memref<1x80x128xf32, #tpu.memory_space<vmem>> -> memref<80x128xf32, #tpu.memory_space<vmem>>
      %dma_wait3A_292 = arith.constant 0 : i32
      %dma_wait3A_293 = tpu.memref_slice %arg4[%add3A_185, %dma_wait3A_292] : memref<320000x128xf32, #tpu.memory_space<hbm>> -> memref<80x128xf32, #tpu.memory_space<hbm>>
      %dma_wait3A_294 = arith.constant 0 : i32
      %dma_wait3A_295 = tpu.memref_slice %arg4[%add3A_185, %dma_wait3A_294] : memref<320000x128xf32, #tpu.memory_space<hbm>> -> memref<80x128xf32, #tpu.memory_space<hbm>>
      %dma_wait3A_296 = arith.constant 0 : i32
      %dma_wait3A_297 = arith.constant 0 : i32
      %dma_wait3A_298 = tpu.memref_slice %arg6[%dma_wait3A_287, %dma_wait3A_296, %dma_wait3A_297] : memref<4x80x128xf32, #tpu.memory_space<vmem>> -> memref<1x80x128xf32, #tpu.memory_space<vmem>>
      %dma_wait3A_299 = tpu.memref_squeeze %dma_wait3A_298 : memref<1x80x128xf32, #tpu.memory_space<vmem>> -> memref<80x128xf32, #tpu.memory_space<vmem>>
      tpu.wait_dma2 semaphore(%arg14 : memref<!tpu.dma_semaphore, #tpu.memory_space<semaphore_mem>>) src(%dma_wait3A_299 : memref<80x128xf32, #tpu.memory_space<vmem>>) dst(%dma_wait3A_295 : memref<80x128xf32, #tpu.memory_space<hbm>>)
      %lt3A_300 = arith.constant 125 : i32
      %lt3A_301 = arith.cmpi slt, %add3A_286, %lt3A_300 : i32
      %convert_element_type3A_302 = arith.extui %lt3A_301 : i1 to i32
      %cond3A_303 = arith.constant 0 : i32
      %cond3A_304 = arith.cmpi ne, %convert_element_type3A_302, %cond3A_303 : i32
      scf.if %cond3A_304 {
        %mul3A_329 = arith.constant 80 : i32
        %mul3A_330 = arith.muli %add3A_286, %mul3A_329 : i32
        %dma_start3A_331 = arith.constant 2 : i32
        %dma_start3A_332 = arith.constant 0 : i32
        %dma_start3A_333 = arith.constant 0 : i32
        %dma_start3A_334 = tpu.memref_slice %arg6[%dma_start3A_331, %dma_start3A_332, %dma_start3A_333] : memref<4x80x128xf32, #tpu.memory_space<vmem>> -> memref<1x80x128xf32, #tpu.memory_space<vmem>>
        %dma_start3A_335 = tpu.memref_squeeze %dma_start3A_334 : memref<1x80x128xf32, #tpu.memory_space<vmem>> -> memref<80x128xf32, #tpu.memory_space<vmem>>
        %dma_start3A_336 = tpu.memref_slice %arg5[%mul3A_330] : memref<10000xi32, #tpu.memory_space<vmem>> -> memref<80xi32, #tpu.memory_space<vmem>>
        %dma_start3A_337 = arith.constant 0 : i32
        %dma_start3A_338 = arith.constant 0 : i32
        %dma_start3A_339 = tpu.memref_slice %arg7[%dma_start3A_337, %dma_start3A_338] : memref<10000x128xf32, #tpu.memory_space<vmem_shared>> -> memref<10000x128xf32, #tpu.memory_space<vmem_shared>>
        tpu.enqueue_indirect_dma source(%dma_start3A_339 : memref<10000x128xf32, #tpu.memory_space<vmem_shared>>) target(%dma_start3A_335 : memref<80x128xf32, #tpu.memory_space<vmem>>) offsets(%dma_start3A_336 : memref<80xi32, #tpu.memory_space<vmem>>) semaphore(%arg10 : memref<!tpu.dma_semaphore, #tpu.memory_space<semaphore_mem>>)
      } else {
      }
      %add3A_305 = arith.constant 1 : i32
      %add3A_306 = arith.addi %scan3A_93, %add3A_305 : i32
      %mul3A_307 = arith.constant 4 : i32
      %mul3A_308 = arith.muli %add3A_306, %mul3A_307 : i32
      %add3A_309 = arith.constant 3 : i32
      %add3A_310 = arith.addi %mul3A_308, %add3A_309 : i32
      %dma_wait3A_311 = arith.constant 3 : i32
      %dma_wait3A_312 = arith.constant 0 : i32
      %dma_wait3A_313 = arith.constant 0 : i32
      %dma_wait3A_314 = tpu.memref_slice %arg6[%dma_wait3A_311, %dma_wait3A_312, %dma_wait3A_313] : memref<4x80x128xf32, #tpu.memory_space<vmem>> -> memref<1x80x128xf32, #tpu.memory_space<vmem>>
      %dma_wait3A_315 = tpu.memref_squeeze %dma_wait3A_314 : memref<1x80x128xf32, #tpu.memory_space<vmem>> -> memref<80x128xf32, #tpu.memory_space<vmem>>
      %dma_wait3A_316 = arith.constant 0 : i32
      %dma_wait3A_317 = tpu.memref_slice %arg4[%add3A_220, %dma_wait3A_316] : memref<320000x128xf32, #tpu.memory_space<hbm>> -> memref<80x128xf32, #tpu.memory_space<hbm>>
      %dma_wait3A_318 = arith.constant 0 : i32
      %dma_wait3A_319 = tpu.memref_slice %arg4[%add3A_220, %dma_wait3A_318] : memref<320000x128xf32, #tpu.memory_space<hbm>> -> memref<80x128xf32, #tpu.memory_space<hbm>>
      %dma_wait3A_320 = arith.constant 0 : i32
      %dma_wait3A_321 = arith.constant 0 : i32
      %dma_wait3A_322 = tpu.memref_slice %arg6[%dma_wait3A_311, %dma_wait3A_320, %dma_wait3A_321] : memref<4x80x128xf32, #tpu.memory_space<vmem>> -> memref<1x80x128xf32, #tpu.memory_space<vmem>>
      %dma_wait3A_323 = tpu.memref_squeeze %dma_wait3A_322 : memref<1x80x128xf32, #tpu.memory_space<vmem>> -> memref<80x128xf32, #tpu.memory_space<vmem>>
      tpu.wait_dma2 semaphore(%arg15 : memref<!tpu.dma_semaphore, #tpu.memory_space<semaphore_mem>>) src(%dma_wait3A_323 : memref<80x128xf32, #tpu.memory_space<vmem>>) dst(%dma_wait3A_319 : memref<80x128xf32, #tpu.memory_space<hbm>>)
      %lt3A_324 = arith.constant 125 : i32
      %lt3A_325 = arith.cmpi slt, %add3A_310, %lt3A_324 : i32
      %convert_element_type3A_326 = arith.extui %lt3A_325 : i1 to i32
      %cond3A_327 = arith.constant 0 : i32
      %cond3A_328 = arith.cmpi ne, %convert_element_type3A_326, %cond3A_327 : i32
      scf.if %cond3A_328 {
        %mul3A_329 = arith.constant 80 : i32
        %mul3A_330 = arith.muli %add3A_310, %mul3A_329 : i32
        %dma_start3A_331 = arith.constant 3 : i32
        %dma_start3A_332 = arith.constant 0 : i32
        %dma_start3A_333 = arith.constant 0 : i32
        %dma_start3A_334 = tpu.memref_slice %arg6[%dma_start3A_331, %dma_start3A_332, %dma_start3A_333] : memref<4x80x128xf32, #tpu.memory_space<vmem>> -> memref<1x80x128xf32, #tpu.memory_space<vmem>>
        %dma_start3A_335 = tpu.memref_squeeze %dma_start3A_334 : memref<1x80x128xf32, #tpu.memory_space<vmem>> -> memref<80x128xf32, #tpu.memory_space<vmem>>
        %dma_start3A_336 = tpu.memref_slice %arg5[%mul3A_330] : memref<10000xi32, #tpu.memory_space<vmem>> -> memref<80xi32, #tpu.memory_space<vmem>>
        %dma_start3A_337 = arith.constant 0 : i32
        %dma_start3A_338 = arith.constant 0 : i32
        %dma_start3A_339 = tpu.memref_slice %arg7[%dma_start3A_337, %dma_start3A_338] : memref<10000x128xf32, #tpu.memory_space<vmem_shared>> -> memref<10000x128xf32, #tpu.memory_space<vmem_shared>>
        tpu.enqueue_indirect_dma source(%dma_start3A_339 : memref<10000x128xf32, #tpu.memory_space<vmem_shared>>) target(%dma_start3A_335 : memref<80x128xf32, #tpu.memory_space<vmem>>) offsets(%dma_start3A_336 : memref<80xi32, #tpu.memory_space<vmem>>) semaphore(%arg11 : memref<!tpu.dma_semaphore, #tpu.memory_space<semaphore_mem>>)
      } else {
      }
    }
    %scan3A_50 = arith.constant 31 : i32
    %dma_wait3A = arith.constant 0 : i32
    %dma_wait3A_51 = arith.constant 0 : i32
    %dma_wait3A_52 = arith.constant 0 : i32
    %dma_wait3A_53 = tpu.memref_slice %arg6[%dma_wait3A, %dma_wait3A_51, %dma_wait3A_52] : memref<4x80x128xf32, #tpu.memory_space<vmem>> -> memref<1x80x128xf32, #tpu.memory_space<vmem>>
    %dma_wait3A_54 = tpu.memref_squeeze %dma_wait3A_53 : memref<1x80x128xf32, #tpu.memory_space<vmem>> -> memref<80x128xf32, #tpu.memory_space<vmem>>
    %dma_wait3A_55 = arith.constant 0 : i32
    %dma_wait3A_56 = arith.constant 0 : i32
    %dma_wait3A_57 = tpu.memref_slice %arg2[%dma_wait3A_55, %dma_wait3A_56] : memref<10000x128xf32, #tpu.memory_space<hbm>> -> memref<80x128xf32, #tpu.memory_space<hbm>>
    %dma_wait3A_58 = arith.constant 0 : i32
    %dma_wait3A_59 = arith.constant 0 : i32
    %dma_wait3A_60 = tpu.memref_slice %arg6[%dma_wait3A, %dma_wait3A_58, %dma_wait3A_59] : memref<4x80x128xf32, #tpu.memory_space<vmem>> -> memref<1x80x128xf32, #tpu.memory_space<vmem>>
    %dma_wait3A_61 = tpu.memref_squeeze %dma_wait3A_60 : memref<1x80x128xf32, #tpu.memory_space<vmem>> -> memref<80x128xf32, #tpu.memory_space<vmem>>
    %dma_wait3A_62 = arith.constant 0 : i32
    %dma_wait3A_63 = arith.constant 0 : i32
    %dma_wait3A_64 = tpu.memref_slice %arg2[%dma_wait3A_62, %dma_wait3A_63] : memref<10000x128xf32, #tpu.memory_space<hbm>> -> memref<80x128xf32, #tpu.memory_space<hbm>>
    tpu.wait_dma2 semaphore(%arg8 : memref<!tpu.dma_semaphore, #tpu.memory_space<semaphore_mem>>) src(%dma_wait3A_64 : memref<80x128xf32, #tpu.memory_space<hbm>>) dst(%dma_wait3A_61 : memref<80x128xf32, #tpu.memory_space<vmem>>)
    %add3A_65 = arith.constant 9920 : i32
    %add3A_66 = arith.addi %mul3A_2, %add3A_65 : i32
    %dma_start3A_67 = arith.constant 0 : i32
    %dma_start3A_68 = arith.constant 0 : i32
    %dma_start3A_69 = arith.constant 0 : i32
    %dma_start3A_70 = tpu.memref_slice %arg6[%dma_start3A_67, %dma_start3A_68, %dma_start3A_69] : memref<4x80x128xf32, #tpu.memory_space<vmem>> -> memref<1x80x128xf32, #tpu.memory_space<vmem>>
    %dma_start3A_71 = tpu.memref_squeeze %dma_start3A_70 : memref<1x80x128xf32, #tpu.memory_space<vmem>> -> memref<80x128xf32, #tpu.memory_space<vmem>>
    %dma_start3A_72 = arith.constant 0 : i32
    %dma_start3A_73 = tpu.memref_slice %arg4[%add3A_66, %dma_start3A_72] : memref<320000x128xf32, #tpu.memory_space<hbm>> -> memref<80x128xf32, #tpu.memory_space<hbm>>
    %dma_start3A_74 = arith.constant 0 : i32
    %dma_start3A_75 = tpu.memref_slice %arg4[%add3A_66, %dma_start3A_74] : memref<320000x128xf32, #tpu.memory_space<hbm>> -> memref<80x128xf32, #tpu.memory_space<hbm>>
    %dma_start3A_76 = arith.constant 0 : i32
    %dma_start3A_77 = arith.constant 0 : i32
    %dma_start3A_78 = tpu.memref_slice %arg6[%dma_start3A_67, %dma_start3A_76, %dma_start3A_77] : memref<4x80x128xf32, #tpu.memory_space<vmem>> -> memref<1x80x128xf32, #tpu.memory_space<vmem>>
    %dma_start3A_79 = tpu.memref_squeeze %dma_start3A_78 : memref<1x80x128xf32, #tpu.memory_space<vmem>> -> memref<80x128xf32, #tpu.memory_space<vmem>>
    tpu.enqueue_dma source(%dma_start3A_79 : memref<80x128xf32, #tpu.memory_space<vmem>>) target(%dma_start3A_75 : memref<80x128xf32, #tpu.memory_space<hbm>>) target_semaphore(%arg12 : memref<!tpu.dma_semaphore, #tpu.memory_space<semaphore_mem>>)
    %dma_wait3A_80 = arith.constant 0 : i32
    %dma_wait3A_81 = arith.constant 0 : i32
    %dma_wait3A_82 = arith.constant 0 : i32
    %dma_wait3A_83 = tpu.memref_slice %arg6[%dma_wait3A_80, %dma_wait3A_81, %dma_wait3A_82] : memref<4x80x128xf32, #tpu.memory_space<vmem>> -> memref<1x80x128xf32, #tpu.memory_space<vmem>>
    %dma_wait3A_84 = tpu.memref_squeeze %dma_wait3A_83 : memref<1x80x128xf32, #tpu.memory_space<vmem>> -> memref<80x128xf32, #tpu.memory_space<vmem>>
    %dma_wait3A_85 = arith.constant 0 : i32
    %dma_wait3A_86 = tpu.memref_slice %arg4[%add3A_66, %dma_wait3A_85] : memref<320000x128xf32, #tpu.memory_space<hbm>> -> memref<80x128xf32, #tpu.memory_space<hbm>>
    %dma_wait3A_87 = arith.constant 0 : i32
    %dma_wait3A_88 = tpu.memref_slice %arg4[%add3A_66, %dma_wait3A_87] : memref<320000x128xf32, #tpu.memory_space<hbm>> -> memref<80x128xf32, #tpu.memory_space<hbm>>
    %dma_wait3A_89 = arith.constant 0 : i32
    %dma_wait3A_90 = arith.constant 0 : i32
    %dma_wait3A_91 = tpu.memref_slice %arg6[%dma_wait3A_80, %dma_wait3A_89, %dma_wait3A_90] : memref<4x80x128xf32, #tpu.memory_space<vmem>> -> memref<1x80x128xf32, #tpu.memory_space<vmem>>
    %dma_wait3A_92 = tpu.memref_squeeze %dma_wait3A_91 : memref<1x80x128xf32, #tpu.memory_space<vmem>> -> memref<80x128xf32, #tpu.memory_space<vmem>>
    tpu.wait_dma2 semaphore(%arg12 : memref<!tpu.dma_semaphore, #tpu.memory_space<semaphore_mem>>) src(%dma_wait3A_92 : memref<80x128xf32, #tpu.memory_space<vmem>>) dst(%dma_wait3A_88 : memref<80x128xf32, #tpu.memory_space<hbm>>)
    return
  }
}

#map = affine_map<(d0, d1) -> (0, 0)>
#map1 = affine_map<(d0, d1) -> (0, 0, 0)>
module attributes {stable_mosaic.version = 14 : i64} {
  func.func @_scatter_partials(%arg0: i32, %arg1: i32, %arg2: memref<320000x128xf32, #tpu.memory_space<hbm>>, %arg3: memref<32x128x80xi32, #tpu.memory_space<hbm>>, %arg4: memref<10000x128xf32, #tpu.memory_space<hbm>>, %arg5: memref<2x10000x128xf32, #tpu.memory_space<hbm>>, %arg6: memref<64x80xi32, #tpu.memory_space<vmem>>, %arg7: memref<4x80x128xf32, #tpu.memory_space<vmem>>, %arg8: memref<10000x128xf32, #tpu.memory_space<vmem_shared>>, %arg9: memref<!tpu.dma_semaphore, #tpu.memory_space<semaphore_mem>>, %arg10: memref<!tpu.dma_semaphore, #tpu.memory_space<semaphore_mem>>, %arg11: memref<!tpu.dma_semaphore, #tpu.memory_space<semaphore_mem>>, %arg12: memref<!tpu.dma_semaphore, #tpu.memory_space<semaphore_mem>>) attributes {dimension_semantics = [#tpu.dimension_semantics<core_parallel>, #tpu.dimension_semantics<subcore_parallel>], iteration_bounds = array<i64: 2, 16>, scalar_prefetch = 0 : i64, scratch_operands = 7 : i64, tpu.core_type = #tpu.core_type<sc_vector_subcore>, window_params = [{transform_indices = #map}, {transform_indices = #map1}, {transform_indices = #map}, {transform_indices = #map1}]} {
    %mul3A = arith.constant 2 : i32
    %mul3A_0 = arith.muli %arg1, %mul3A : i32
    %add3A = arith.addi %mul3A_0, %arg0 : i32
    %mul3A_1 = arith.constant 10000 : i32
    %mul3A_2 = arith.muli %add3A, %mul3A_1 : i32
    "tpu.region"() ({
      %run_scoped3A = tpu.sem_alloc : memref<!tpu.dma_semaphore, #tpu.memory_space<semaphore_mem>>
      %dma_start3A_115 = arith.constant 0 : i32
      %dma_start3A_116 = arith.constant 0 : i32
      %dma_start3A_117 = tpu.memref_slice %arg3[%add3A, %dma_start3A_115, %dma_start3A_116] : memref<32x128x80xi32, #tpu.memory_space<hbm>> -> memref<1x128x80xi32, #tpu.memory_space<hbm>>
      %dma_start3A_118 = tpu.memref_squeeze %dma_start3A_117 : memref<1x128x80xi32, #tpu.memory_space<hbm>> -> memref<128x80xi32, #tpu.memory_space<hbm>>
      %dma_start3A_119 = arith.constant 0 : i32
      %dma_start3A_120 = arith.constant 0 : i32
      %dma_start3A_121 = tpu.memref_slice %dma_start3A_118[%dma_start3A_119, %dma_start3A_120] : memref<128x80xi32, #tpu.memory_space<hbm>> -> memref<64x80xi32, #tpu.memory_space<hbm>>
      %dma_start3A_122 = arith.constant 0 : i32
      %dma_start3A_123 = arith.constant 0 : i32
      %dma_start3A_124 = tpu.memref_slice %arg3[%add3A, %dma_start3A_122, %dma_start3A_123] : memref<32x128x80xi32, #tpu.memory_space<hbm>> -> memref<1x128x80xi32, #tpu.memory_space<hbm>>
      %dma_start3A_125 = tpu.memref_squeeze %dma_start3A_124 : memref<1x128x80xi32, #tpu.memory_space<hbm>> -> memref<128x80xi32, #tpu.memory_space<hbm>>
      %dma_start3A_126 = arith.constant 0 : i32
      %dma_start3A_127 = arith.constant 0 : i32
      %dma_start3A_128 = tpu.memref_slice %dma_start3A_125[%dma_start3A_126, %dma_start3A_127] : memref<128x80xi32, #tpu.memory_space<hbm>> -> memref<64x80xi32, #tpu.memory_space<hbm>>
      tpu.enqueue_dma source(%dma_start3A_128 : memref<64x80xi32, #tpu.memory_space<hbm>>) target(%arg6 : memref<64x80xi32, #tpu.memory_space<vmem>>) target_semaphore(%run_scoped3A : memref<!tpu.dma_semaphore, #tpu.memory_space<semaphore_mem>>)
      %dma_wait3A_129 = arith.constant 0 : i32
      %dma_wait3A_130 = arith.constant 0 : i32
      %dma_wait3A_131 = tpu.memref_slice %arg3[%add3A, %dma_wait3A_129, %dma_wait3A_130] : memref<32x128x80xi32, #tpu.memory_space<hbm>> -> memref<1x128x80xi32, #tpu.memory_space<hbm>>
      %dma_wait3A_132 = tpu.memref_squeeze %dma_wait3A_131 : memref<1x128x80xi32, #tpu.memory_space<hbm>> -> memref<128x80xi32, #tpu.memory_space<hbm>>
      %dma_wait3A_133 = arith.constant 0 : i32
      %dma_wait3A_134 = arith.constant 0 : i32
      %dma_wait3A_135 = tpu.memref_slice %dma_wait3A_132[%dma_wait3A_133, %dma_wait3A_134] : memref<128x80xi32, #tpu.memory_space<hbm>> -> memref<64x80xi32, #tpu.memory_space<hbm>>
      %dma_wait3A_136 = arith.constant 0 : i32
      %dma_wait3A_137 = arith.constant 0 : i32
      %dma_wait3A_138 = tpu.memref_slice %arg3[%add3A, %dma_wait3A_136, %dma_wait3A_137] : memref<32x128x80xi32, #tpu.memory_space<hbm>> -> memref<1x128x80xi32, #tpu.memory_space<hbm>>
      %dma_wait3A_139 = tpu.memref_squeeze %dma_wait3A_138 : memref<1x128x80xi32, #tpu.memory_space<hbm>> -> memref<128x80xi32, #tpu.memory_space<hbm>>
      %dma_wait3A_140 = arith.constant 0 : i32
      %dma_wait3A_141 = arith.constant 0 : i32
      %dma_wait3A_142 = tpu.memref_slice %dma_wait3A_139[%dma_wait3A_140, %dma_wait3A_141] : memref<128x80xi32, #tpu.memory_space<hbm>> -> memref<64x80xi32, #tpu.memory_space<hbm>>
      tpu.wait_dma2 semaphore(%run_scoped3A : memref<!tpu.dma_semaphore, #tpu.memory_space<semaphore_mem>>) src(%dma_wait3A_142 : memref<64x80xi32, #tpu.memory_space<hbm>>) dst(%arg6 : memref<64x80xi32, #tpu.memory_space<vmem>>)
      tpu.yield
    }) : () -> ()
    %mul3A_3 = arith.constant 624 : i32
    %mul3A_4 = arith.muli %arg1, %mul3A_3 : i32
    "tpu.region"() ({
      %run_scoped3A = tpu.sem_alloc : memref<!tpu.dma_semaphore, #tpu.memory_space<semaphore_mem>>
      %dma_start3A_115 = arith.constant 0 : i32
      %dma_start3A_116 = tpu.memref_slice %arg8[%mul3A_4, %dma_start3A_115] : memref<10000x128xf32, #tpu.memory_space<vmem_shared>> -> memref<624x128xf32, #tpu.memory_space<vmem_shared>>
      %dma_start3A_117 = arith.constant 0 : i32
      %dma_start3A_118 = tpu.memref_slice %arg4[%mul3A_4, %dma_start3A_117] : memref<10000x128xf32, #tpu.memory_space<hbm>> -> memref<624x128xf32, #tpu.memory_space<hbm>>
      tpu.enqueue_dma source(%dma_start3A_118 : memref<624x128xf32, #tpu.memory_space<hbm>>) target(%dma_start3A_116 : memref<624x128xf32, #tpu.memory_space<vmem_shared>>) target_semaphore(%run_scoped3A : memref<!tpu.dma_semaphore, #tpu.memory_space<semaphore_mem>>)
      %dma_wait3A_119 = arith.constant 0 : i32
      %dma_wait3A_120 = tpu.memref_slice %arg8[%mul3A_4, %dma_wait3A_119] : memref<10000x128xf32, #tpu.memory_space<vmem_shared>> -> memref<624x128xf32, #tpu.memory_space<vmem_shared>>
      %dma_wait3A_121 = arith.constant 0 : i32
      %dma_wait3A_122 = tpu.memref_slice %arg4[%mul3A_4, %dma_wait3A_121] : memref<10000x128xf32, #tpu.memory_space<hbm>> -> memref<624x128xf32, #tpu.memory_space<hbm>>
      tpu.wait_dma2 semaphore(%run_scoped3A : memref<!tpu.dma_semaphore, #tpu.memory_space<semaphore_mem>>) src(%dma_wait3A_122 : memref<624x128xf32, #tpu.memory_space<hbm>>) dst(%dma_wait3A_120 : memref<624x128xf32, #tpu.memory_space<vmem_shared>>)
      tpu.yield
    }) : () -> ()
    %eq3A = arith.constant 0 : i32
    %eq3A_5 = arith.cmpi eq, %arg1, %eq3A : i32
    %convert_element_type3A = arith.extui %eq3A_5 : i1 to i32
    %cond3A = arith.constant 0 : i32
    %cond3A_6 = arith.cmpi ne, %convert_element_type3A, %cond3A : i32
    scf.if %cond3A_6 {
      "tpu.region"() ({
        %run_scoped3A = tpu.sem_alloc : memref<!tpu.dma_semaphore, #tpu.memory_space<semaphore_mem>>
        %dma_start3A_115 = arith.constant 9984 : i32
        %dma_start3A_116 = arith.constant 0 : i32
        %dma_start3A_117 = tpu.memref_slice %arg8[%dma_start3A_115, %dma_start3A_116] : memref<10000x128xf32, #tpu.memory_space<vmem_shared>> -> memref<16x128xf32, #tpu.memory_space<vmem_shared>>
        %dma_start3A_118 = arith.constant 9984 : i32
        %dma_start3A_119 = arith.constant 0 : i32
        %dma_start3A_120 = tpu.memref_slice %arg4[%dma_start3A_118, %dma_start3A_119] : memref<10000x128xf32, #tpu.memory_space<hbm>> -> memref<16x128xf32, #tpu.memory_space<hbm>>
        tpu.enqueue_dma source(%dma_start3A_120 : memref<16x128xf32, #tpu.memory_space<hbm>>) target(%dma_start3A_117 : memref<16x128xf32, #tpu.memory_space<vmem_shared>>) target_semaphore(%run_scoped3A : memref<!tpu.dma_semaphore, #tpu.memory_space<semaphore_mem>>)
        %dma_wait3A_121 = arith.constant 9984 : i32
        %dma_wait3A_122 = arith.constant 0 : i32
        %dma_wait3A_123 = tpu.memref_slice %arg8[%dma_wait3A_121, %dma_wait3A_122] : memref<10000x128xf32, #tpu.memory_space<vmem_shared>> -> memref<16x128xf32, #tpu.memory_space<vmem_shared>>
        %dma_wait3A_124 = arith.constant 9984 : i32
        %dma_wait3A_125 = arith.constant 0 : i32
        %dma_wait3A_126 = tpu.memref_slice %arg4[%dma_wait3A_124, %dma_wait3A_125] : memref<10000x128xf32, #tpu.memory_space<hbm>> -> memref<16x128xf32, #tpu.memory_space<hbm>>
        tpu.wait_dma2 semaphore(%run_scoped3A : memref<!tpu.dma_semaphore, #tpu.memory_space<semaphore_mem>>) src(%dma_wait3A_126 : memref<16x128xf32, #tpu.memory_space<hbm>>) dst(%dma_wait3A_123 : memref<16x128xf32, #tpu.memory_space<vmem_shared>>)
        tpu.yield
      }) : () -> ()
    } else {
    }
    %barrier3A = arith.constant 0 : index
    tpu.barrier barrier_id(%barrier3A)
    %add3A_7 = arith.constant 0 : i32
    %add3A_8 = arith.addi %mul3A_2, %add3A_7 : i32
    %dma_start3A = arith.constant 0 : i32
    %dma_start3A_9 = arith.constant 0 : i32
    %dma_start3A_10 = arith.constant 0 : i32
    %dma_start3A_11 = tpu.memref_slice %arg7[%dma_start3A, %dma_start3A_9, %dma_start3A_10] : memref<4x80x128xf32, #tpu.memory_space<vmem>> -> memref<1x80x128xf32, #tpu.memory_space<vmem>>
    %dma_start3A_12 = tpu.memref_squeeze %dma_start3A_11 : memref<1x80x128xf32, #tpu.memory_space<vmem>> -> memref<80x128xf32, #tpu.memory_space<vmem>>
    %dma_start3A_13 = arith.constant 0 : i32
    %dma_start3A_14 = tpu.memref_slice %arg2[%add3A_8, %dma_start3A_13] : memref<320000x128xf32, #tpu.memory_space<hbm>> -> memref<80x128xf32, #tpu.memory_space<hbm>>
    %dma_start3A_15 = arith.constant 0 : i32
    %dma_start3A_16 = arith.constant 0 : i32
    %dma_start3A_17 = tpu.memref_slice %arg7[%dma_start3A, %dma_start3A_15, %dma_start3A_16] : memref<4x80x128xf32, #tpu.memory_space<vmem>> -> memref<1x80x128xf32, #tpu.memory_space<vmem>>
    %dma_start3A_18 = tpu.memref_squeeze %dma_start3A_17 : memref<1x80x128xf32, #tpu.memory_space<vmem>> -> memref<80x128xf32, #tpu.memory_space<vmem>>
    %dma_start3A_19 = arith.constant 0 : i32
    %dma_start3A_20 = tpu.memref_slice %arg2[%add3A_8, %dma_start3A_19] : memref<320000x128xf32, #tpu.memory_space<hbm>> -> memref<80x128xf32, #tpu.memory_space<hbm>>
    tpu.enqueue_dma source(%dma_start3A_20 : memref<80x128xf32, #tpu.memory_space<hbm>>) target(%dma_start3A_18 : memref<80x128xf32, #tpu.memory_space<vmem>>) target_semaphore(%arg9 : memref<!tpu.dma_semaphore, #tpu.memory_space<semaphore_mem>>)
    %add3A_21 = arith.constant 80 : i32
    %add3A_22 = arith.addi %mul3A_2, %add3A_21 : i32
    %dma_start3A_23 = arith.constant 1 : i32
    %dma_start3A_24 = arith.constant 0 : i32
    %dma_start3A_25 = arith.constant 0 : i32
    %dma_start3A_26 = tpu.memref_slice %arg7[%dma_start3A_23, %dma_start3A_24, %dma_start3A_25] : memref<4x80x128xf32, #tpu.memory_space<vmem>> -> memref<1x80x128xf32, #tpu.memory_space<vmem>>
    %dma_start3A_27 = tpu.memref_squeeze %dma_start3A_26 : memref<1x80x128xf32, #tpu.memory_space<vmem>> -> memref<80x128xf32, #tpu.memory_space<vmem>>
    %dma_start3A_28 = arith.constant 0 : i32
    %dma_start3A_29 = tpu.memref_slice %arg2[%add3A_22, %dma_start3A_28] : memref<320000x128xf32, #tpu.memory_space<hbm>> -> memref<80x128xf32, #tpu.memory_space<hbm>>
    %dma_start3A_30 = arith.constant 0 : i32
    %dma_start3A_31 = arith.constant 0 : i32
    %dma_start3A_32 = tpu.memref_slice %arg7[%dma_start3A_23, %dma_start3A_30, %dma_start3A_31] : memref<4x80x128xf32, #tpu.memory_space<vmem>> -> memref<1x80x128xf32, #tpu.memory_space<vmem>>
    %dma_start3A_33 = tpu.memref_squeeze %dma_start3A_32 : memref<1x80x128xf32, #tpu.memory_space<vmem>> -> memref<80x128xf32, #tpu.memory_space<vmem>>
    %dma_start3A_34 = arith.constant 0 : i32
    %dma_start3A_35 = tpu.memref_slice %arg2[%add3A_22, %dma_start3A_34] : memref<320000x128xf32, #tpu.memory_space<hbm>> -> memref<80x128xf32, #tpu.memory_space<hbm>>
    tpu.enqueue_dma source(%dma_start3A_35 : memref<80x128xf32, #tpu.memory_space<hbm>>) target(%dma_start3A_33 : memref<80x128xf32, #tpu.memory_space<vmem>>) target_semaphore(%arg10 : memref<!tpu.dma_semaphore, #tpu.memory_space<semaphore_mem>>)
    %add3A_36 = arith.constant 160 : i32
    %add3A_37 = arith.addi %mul3A_2, %add3A_36 : i32
    %dma_start3A_38 = arith.constant 2 : i32
    %dma_start3A_39 = arith.constant 0 : i32
    %dma_start3A_40 = arith.constant 0 : i32
    %dma_start3A_41 = tpu.memref_slice %arg7[%dma_start3A_38, %dma_start3A_39, %dma_start3A_40] : memref<4x80x128xf32, #tpu.memory_space<vmem>> -> memref<1x80x128xf32, #tpu.memory_space<vmem>>
    %dma_start3A_42 = tpu.memref_squeeze %dma_start3A_41 : memref<1x80x128xf32, #tpu.memory_space<vmem>> -> memref<80x128xf32, #tpu.memory_space<vmem>>
    %dma_start3A_43 = arith.constant 0 : i32
    %dma_start3A_44 = tpu.memref_slice %arg2[%add3A_37, %dma_start3A_43] : memref<320000x128xf32, #tpu.memory_space<hbm>> -> memref<80x128xf32, #tpu.memory_space<hbm>>
    %dma_start3A_45 = arith.constant 0 : i32
    %dma_start3A_46 = arith.constant 0 : i32
    %dma_start3A_47 = tpu.memref_slice %arg7[%dma_start3A_38, %dma_start3A_45, %dma_start3A_46] : memref<4x80x128xf32, #tpu.memory_space<vmem>> -> memref<1x80x128xf32, #tpu.memory_space<vmem>>
    %dma_start3A_48 = tpu.memref_squeeze %dma_start3A_47 : memref<1x80x128xf32, #tpu.memory_space<vmem>> -> memref<80x128xf32, #tpu.memory_space<vmem>>
    %dma_start3A_49 = arith.constant 0 : i32
    %dma_start3A_50 = tpu.memref_slice %arg2[%add3A_37, %dma_start3A_49] : memref<320000x128xf32, #tpu.memory_space<hbm>> -> memref<80x128xf32, #tpu.memory_space<hbm>>
    tpu.enqueue_dma source(%dma_start3A_50 : memref<80x128xf32, #tpu.memory_space<hbm>>) target(%dma_start3A_48 : memref<80x128xf32, #tpu.memory_space<vmem>>) target_semaphore(%arg11 : memref<!tpu.dma_semaphore, #tpu.memory_space<semaphore_mem>>)
    %add3A_51 = arith.constant 240 : i32
    %add3A_52 = arith.addi %mul3A_2, %add3A_51 : i32
    %dma_start3A_53 = arith.constant 3 : i32
    %dma_start3A_54 = arith.constant 0 : i32
    %dma_start3A_55 = arith.constant 0 : i32
    %dma_start3A_56 = tpu.memref_slice %arg7[%dma_start3A_53, %dma_start3A_54, %dma_start3A_55] : memref<4x80x128xf32, #tpu.memory_space<vmem>> -> memref<1x80x128xf32, #tpu.memory_space<vmem>>
    %dma_start3A_57 = tpu.memref_squeeze %dma_start3A_56 : memref<1x80x128xf32, #tpu.memory_space<vmem>> -> memref<80x128xf32, #tpu.memory_space<vmem>>
    %dma_start3A_58 = arith.constant 0 : i32
    %dma_start3A_59 = tpu.memref_slice %arg2[%add3A_52, %dma_start3A_58] : memref<320000x128xf32, #tpu.memory_space<hbm>> -> memref<80x128xf32, #tpu.memory_space<hbm>>
    %dma_start3A_60 = arith.constant 0 : i32
    %dma_start3A_61 = arith.constant 0 : i32
    %dma_start3A_62 = tpu.memref_slice %arg7[%dma_start3A_53, %dma_start3A_60, %dma_start3A_61] : memref<4x80x128xf32, #tpu.memory_space<vmem>> -> memref<1x80x128xf32, #tpu.memory_space<vmem>>
    %dma_start3A_63 = tpu.memref_squeeze %dma_start3A_62 : memref<1x80x128xf32, #tpu.memory_space<vmem>> -> memref<80x128xf32, #tpu.memory_space<vmem>>
    %dma_start3A_64 = arith.constant 0 : i32
    %dma_start3A_65 = tpu.memref_slice %arg2[%add3A_52, %dma_start3A_64] : memref<320000x128xf32, #tpu.memory_space<hbm>> -> memref<80x128xf32, #tpu.memory_space<hbm>>
    tpu.enqueue_dma source(%dma_start3A_65 : memref<80x128xf32, #tpu.memory_space<hbm>>) target(%dma_start3A_63 : memref<80x128xf32, #tpu.memory_space<vmem>>) target_semaphore(%arg12 : memref<!tpu.dma_semaphore, #tpu.memory_space<semaphore_mem>>)
    %scan3A = arith.constant 0 : i32
    %scan3A_66 = arith.constant 0 : i32
    %scan3A_67 = arith.constant 31 : i32
    %scan3A_68 = arith.addi %scan3A_66, %scan3A_67 : i32
    %scan3A_69 = arith.constant 1 : i32
    scf.for %scan3A_115 = %scan3A_66 to %scan3A_68 step %scan3A_69  : i32 {
      %eq3A_116 = arith.constant 16 : i32
      %eq3A_117 = arith.cmpi eq, %scan3A_115, %eq3A_116 : i32
      %convert_element_type3A_118 = arith.extui %eq3A_117 : i1 to i32
      %cond3A_119 = arith.constant 0 : i32
      %cond3A_120 = arith.cmpi ne, %convert_element_type3A_118, %cond3A_119 : i32
      scf.if %cond3A_120 {
        "tpu.region"() ({
          %run_scoped3A = tpu.sem_alloc : memref<!tpu.dma_semaphore, #tpu.memory_space<semaphore_mem>>
          %dma_start3A_345 = arith.constant 0 : i32
          %dma_start3A_346 = arith.constant 0 : i32
          %dma_start3A_347 = tpu.memref_slice %arg3[%add3A, %dma_start3A_345, %dma_start3A_346] : memref<32x128x80xi32, #tpu.memory_space<hbm>> -> memref<1x128x80xi32, #tpu.memory_space<hbm>>
          %dma_start3A_348 = tpu.memref_squeeze %dma_start3A_347 : memref<1x128x80xi32, #tpu.memory_space<hbm>> -> memref<128x80xi32, #tpu.memory_space<hbm>>
          %dma_start3A_349 = arith.constant 64 : i32
          %dma_start3A_350 = arith.constant 0 : i32
          %dma_start3A_351 = tpu.memref_slice %dma_start3A_348[%dma_start3A_349, %dma_start3A_350] : memref<128x80xi32, #tpu.memory_space<hbm>> -> memref<64x80xi32, #tpu.memory_space<hbm>>
          %dma_start3A_352 = arith.constant 0 : i32
          %dma_start3A_353 = arith.constant 0 : i32
          %dma_start3A_354 = tpu.memref_slice %arg3[%add3A, %dma_start3A_352, %dma_start3A_353] : memref<32x128x80xi32, #tpu.memory_space<hbm>> -> memref<1x128x80xi32, #tpu.memory_space<hbm>>
          %dma_start3A_355 = tpu.memref_squeeze %dma_start3A_354 : memref<1x128x80xi32, #tpu.memory_space<hbm>> -> memref<128x80xi32, #tpu.memory_space<hbm>>
          %dma_start3A_356 = arith.constant 64 : i32
          %dma_start3A_357 = arith.constant 0 : i32
          %dma_start3A_358 = tpu.memref_slice %dma_start3A_355[%dma_start3A_356, %dma_start3A_357] : memref<128x80xi32, #tpu.memory_space<hbm>> -> memref<64x80xi32, #tpu.memory_space<hbm>>
          tpu.enqueue_dma source(%dma_start3A_358 : memref<64x80xi32, #tpu.memory_space<hbm>>) target(%arg6 : memref<64x80xi32, #tpu.memory_space<vmem>>) target_semaphore(%run_scoped3A : memref<!tpu.dma_semaphore, #tpu.memory_space<semaphore_mem>>)
          %dma_wait3A_359 = arith.constant 0 : i32
          %dma_wait3A_360 = arith.constant 0 : i32
          %dma_wait3A_361 = tpu.memref_slice %arg3[%add3A, %dma_wait3A_359, %dma_wait3A_360] : memref<32x128x80xi32, #tpu.memory_space<hbm>> -> memref<1x128x80xi32, #tpu.memory_space<hbm>>
          %dma_wait3A_362 = tpu.memref_squeeze %dma_wait3A_361 : memref<1x128x80xi32, #tpu.memory_space<hbm>> -> memref<128x80xi32, #tpu.memory_space<hbm>>
          %dma_wait3A_363 = arith.constant 64 : i32
          %dma_wait3A_364 = arith.constant 0 : i32
          %dma_wait3A_365 = tpu.memref_slice %dma_wait3A_362[%dma_wait3A_363, %dma_wait3A_364] : memref<128x80xi32, #tpu.memory_space<hbm>> -> memref<64x80xi32, #tpu.memory_space<hbm>>
          %dma_wait3A_366 = arith.constant 0 : i32
          %dma_wait3A_367 = arith.constant 0 : i32
          %dma_wait3A_368 = tpu.memref_slice %arg3[%add3A, %dma_wait3A_366, %dma_wait3A_367] : memref<32x128x80xi32, #tpu.memory_space<hbm>> -> memref<1x128x80xi32, #tpu.memory_space<hbm>>
          %dma_wait3A_369 = tpu.memref_squeeze %dma_wait3A_368 : memref<1x128x80xi32, #tpu.memory_space<hbm>> -> memref<128x80xi32, #tpu.memory_space<hbm>>
          %dma_wait3A_370 = arith.constant 64 : i32
          %dma_wait3A_371 = arith.constant 0 : i32
          %dma_wait3A_372 = tpu.memref_slice %dma_wait3A_369[%dma_wait3A_370, %dma_wait3A_371] : memref<128x80xi32, #tpu.memory_space<hbm>> -> memref<64x80xi32, #tpu.memory_space<hbm>>
          tpu.wait_dma2 semaphore(%run_scoped3A : memref<!tpu.dma_semaphore, #tpu.memory_space<semaphore_mem>>) src(%dma_wait3A_372 : memref<64x80xi32, #tpu.memory_space<hbm>>) dst(%arg6 : memref<64x80xi32, #tpu.memory_space<vmem>>)
          tpu.yield
        }) : () -> ()
      } else {
      }
      %mul3A_121 = arith.constant 4 : i32
      %mul3A_122 = arith.muli %scan3A_115, %mul3A_121 : i32
      %add3A_123 = arith.constant 0 : i32
      %add3A_124 = arith.addi %mul3A_122, %add3A_123 : i32
      %ge3A = arith.constant 64 : i32
      %ge3A_125 = arith.cmpi sge, %add3A_124, %ge3A : i32
      %sub3A = arith.constant 64 : i32
      %sub3A_126 = arith.subi %add3A_124, %sub3A : i32
      %select_n3A = arith.select %ge3A_125, %sub3A_126, %add3A_124 : i32
      %dma_wait3A_127 = arith.constant 0 : i32
      %dma_wait3A_128 = arith.constant 0 : i32
      %dma_wait3A_129 = arith.constant 0 : i32
      %dma_wait3A_130 = tpu.memref_slice %arg7[%dma_wait3A_127, %dma_wait3A_128, %dma_wait3A_129] : memref<4x80x128xf32, #tpu.memory_space<vmem>> -> memref<1x80x128xf32, #tpu.memory_space<vmem>>
      %dma_wait3A_131 = tpu.memref_squeeze %dma_wait3A_130 : memref<1x80x128xf32, #tpu.memory_space<vmem>> -> memref<80x128xf32, #tpu.memory_space<vmem>>
      %dma_wait3A_132 = arith.constant 0 : i32
      %dma_wait3A_133 = arith.constant 0 : i32
      %dma_wait3A_134 = tpu.memref_slice %arg2[%dma_wait3A_132, %dma_wait3A_133] : memref<320000x128xf32, #tpu.memory_space<hbm>> -> memref<80x128xf32, #tpu.memory_space<hbm>>
      %dma_wait3A_135 = arith.constant 0 : i32
      %dma_wait3A_136 = arith.constant 0 : i32
      %dma_wait3A_137 = tpu.memref_slice %arg7[%dma_wait3A_127, %dma_wait3A_135, %dma_wait3A_136] : memref<4x80x128xf32, #tpu.memory_space<vmem>> -> memref<1x80x128xf32, #tpu.memory_space<vmem>>
      %dma_wait3A_138 = tpu.memref_squeeze %dma_wait3A_137 : memref<1x80x128xf32, #tpu.memory_space<vmem>> -> memref<80x128xf32, #tpu.memory_space<vmem>>
      %dma_wait3A_139 = arith.constant 0 : i32
      %dma_wait3A_140 = arith.constant 0 : i32
      %dma_wait3A_141 = tpu.memref_slice %arg2[%dma_wait3A_139, %dma_wait3A_140] : memref<320000x128xf32, #tpu.memory_space<hbm>> -> memref<80x128xf32, #tpu.memory_space<hbm>>
      tpu.wait_dma2 semaphore(%arg9 : memref<!tpu.dma_semaphore, #tpu.memory_space<semaphore_mem>>) src(%dma_wait3A_141 : memref<80x128xf32, #tpu.memory_space<hbm>>) dst(%dma_wait3A_138 : memref<80x128xf32, #tpu.memory_space<vmem>>)
      %dma_start3A_142 = arith.constant 0 : i32
      %dma_start3A_143 = arith.constant 0 : i32
      %dma_start3A_144 = arith.constant 0 : i32
      %dma_start3A_145 = tpu.memref_slice %arg7[%dma_start3A_142, %dma_start3A_143, %dma_start3A_144] : memref<4x80x128xf32, #tpu.memory_space<vmem>> -> memref<1x80x128xf32, #tpu.memory_space<vmem>>
      %dma_start3A_146 = tpu.memref_squeeze %dma_start3A_145 : memref<1x80x128xf32, #tpu.memory_space<vmem>> -> memref<80x128xf32, #tpu.memory_space<vmem>>
      %dma_start3A_147 = arith.constant 0 : i32
      %dma_start3A_148 = tpu.memref_slice %arg6[%select_n3A, %dma_start3A_147] : memref<64x80xi32, #tpu.memory_space<vmem>> -> memref<1x80xi32, #tpu.memory_space<vmem>>
      %dma_start3A_149 = tpu.memref_squeeze %dma_start3A_148 : memref<1x80xi32, #tpu.memory_space<vmem>> -> memref<80xi32, #tpu.memory_space<vmem>>
      %dma_start3A_150 = arith.constant 0 : i32
      %dma_start3A_151 = arith.constant 0 : i32
      %dma_start3A_152 = tpu.memref_slice %arg8[%dma_start3A_150, %dma_start3A_151] : memref<10000x128xf32, #tpu.memory_space<vmem_shared>> -> memref<10000x128xf32, #tpu.memory_space<vmem_shared>>
      tpu.enqueue_indirect_dma source(%dma_start3A_146 : memref<80x128xf32, #tpu.memory_space<vmem>>) target(%dma_start3A_152 : memref<10000x128xf32, #tpu.memory_space<vmem_shared>>) offsets(%dma_start3A_149 : memref<80xi32, #tpu.memory_space<vmem>>) semaphore(%arg9 : memref<!tpu.dma_semaphore, #tpu.memory_space<semaphore_mem>>) {add = true}
      %mul3A_153 = arith.constant 4 : i32
      %mul3A_154 = arith.muli %scan3A_115, %mul3A_153 : i32
      %add3A_155 = arith.constant 1 : i32
      %add3A_156 = arith.addi %mul3A_154, %add3A_155 : i32
      %ge3A_157 = arith.constant 64 : i32
      %ge3A_158 = arith.cmpi sge, %add3A_156, %ge3A_157 : i32
      %sub3A_159 = arith.constant 64 : i32
      %sub3A_160 = arith.subi %add3A_156, %sub3A_159 : i32
      %select_n3A_161 = arith.select %ge3A_158, %sub3A_160, %add3A_156 : i32
      %dma_wait3A_162 = arith.constant 1 : i32
      %dma_wait3A_163 = arith.constant 0 : i32
      %dma_wait3A_164 = arith.constant 0 : i32
      %dma_wait3A_165 = tpu.memref_slice %arg7[%dma_wait3A_162, %dma_wait3A_163, %dma_wait3A_164] : memref<4x80x128xf32, #tpu.memory_space<vmem>> -> memref<1x80x128xf32, #tpu.memory_space<vmem>>
      %dma_wait3A_166 = tpu.memref_squeeze %dma_wait3A_165 : memref<1x80x128xf32, #tpu.memory_space<vmem>> -> memref<80x128xf32, #tpu.memory_space<vmem>>
      %dma_wait3A_167 = arith.constant 0 : i32
      %dma_wait3A_168 = arith.constant 0 : i32
      %dma_wait3A_169 = tpu.memref_slice %arg2[%dma_wait3A_167, %dma_wait3A_168] : memref<320000x128xf32, #tpu.memory_space<hbm>> -> memref<80x128xf32, #tpu.memory_space<hbm>>
      %dma_wait3A_170 = arith.constant 0 : i32
      %dma_wait3A_171 = arith.constant 0 : i32
      %dma_wait3A_172 = tpu.memref_slice %arg7[%dma_wait3A_162, %dma_wait3A_170, %dma_wait3A_171] : memref<4x80x128xf32, #tpu.memory_space<vmem>> -> memref<1x80x128xf32, #tpu.memory_space<vmem>>
      %dma_wait3A_173 = tpu.memref_squeeze %dma_wait3A_172 : memref<1x80x128xf32, #tpu.memory_space<vmem>> -> memref<80x128xf32, #tpu.memory_space<vmem>>
      %dma_wait3A_174 = arith.constant 0 : i32
      %dma_wait3A_175 = arith.constant 0 : i32
      %dma_wait3A_176 = tpu.memref_slice %arg2[%dma_wait3A_174, %dma_wait3A_175] : memref<320000x128xf32, #tpu.memory_space<hbm>> -> memref<80x128xf32, #tpu.memory_space<hbm>>
      tpu.wait_dma2 semaphore(%arg10 : memref<!tpu.dma_semaphore, #tpu.memory_space<semaphore_mem>>) src(%dma_wait3A_176 : memref<80x128xf32, #tpu.memory_space<hbm>>) dst(%dma_wait3A_173 : memref<80x128xf32, #tpu.memory_space<vmem>>)
      %dma_start3A_177 = arith.constant 1 : i32
      %dma_start3A_178 = arith.constant 0 : i32
      %dma_start3A_179 = arith.constant 0 : i32
      %dma_start3A_180 = tpu.memref_slice %arg7[%dma_start3A_177, %dma_start3A_178, %dma_start3A_179] : memref<4x80x128xf32, #tpu.memory_space<vmem>> -> memref<1x80x128xf32, #tpu.memory_space<vmem>>
      %dma_start3A_181 = tpu.memref_squeeze %dma_start3A_180 : memref<1x80x128xf32, #tpu.memory_space<vmem>> -> memref<80x128xf32, #tpu.memory_space<vmem>>
      %dma_start3A_182 = arith.constant 0 : i32
      %dma_start3A_183 = tpu.memref_slice %arg6[%select_n3A_161, %dma_start3A_182] : memref<64x80xi32, #tpu.memory_space<vmem>> -> memref<1x80xi32, #tpu.memory_space<vmem>>
      %dma_start3A_184 = tpu.memref_squeeze %dma_start3A_183 : memref<1x80xi32, #tpu.memory_space<vmem>> -> memref<80xi32, #tpu.memory_space<vmem>>
      %dma_start3A_185 = arith.constant 0 : i32
      %dma_start3A_186 = arith.constant 0 : i32
      %dma_start3A_187 = tpu.memref_slice %arg8[%dma_start3A_185, %dma_start3A_186] : memref<10000x128xf32, #tpu.memory_space<vmem_shared>> -> memref<10000x128xf32, #tpu.memory_space<vmem_shared>>
      tpu.enqueue_indirect_dma source(%dma_start3A_181 : memref<80x128xf32, #tpu.memory_space<vmem>>) target(%dma_start3A_187 : memref<10000x128xf32, #tpu.memory_space<vmem_shared>>) offsets(%dma_start3A_184 : memref<80xi32, #tpu.memory_space<vmem>>) semaphore(%arg10 : memref<!tpu.dma_semaphore, #tpu.memory_space<semaphore_mem>>) {add = true}
      %mul3A_188 = arith.constant 4 : i32
      %mul3A_189 = arith.muli %scan3A_115, %mul3A_188 : i32
      %add3A_190 = arith.constant 2 : i32
      %add3A_191 = arith.addi %mul3A_189, %add3A_190 : i32
      %ge3A_192 = arith.constant 64 : i32
      %ge3A_193 = arith.cmpi sge, %add3A_191, %ge3A_192 : i32
      %sub3A_194 = arith.constant 64 : i32
      %sub3A_195 = arith.subi %add3A_191, %sub3A_194 : i32
      %select_n3A_196 = arith.select %ge3A_193, %sub3A_195, %add3A_191 : i32
      %dma_wait3A_197 = arith.constant 2 : i32
      %dma_wait3A_198 = arith.constant 0 : i32
      %dma_wait3A_199 = arith.constant 0 : i32
      %dma_wait3A_200 = tpu.memref_slice %arg7[%dma_wait3A_197, %dma_wait3A_198, %dma_wait3A_199] : memref<4x80x128xf32, #tpu.memory_space<vmem>> -> memref<1x80x128xf32, #tpu.memory_space<vmem>>
      %dma_wait3A_201 = tpu.memref_squeeze %dma_wait3A_200 : memref<1x80x128xf32, #tpu.memory_space<vmem>> -> memref<80x128xf32, #tpu.memory_space<vmem>>
      %dma_wait3A_202 = arith.constant 0 : i32
      %dma_wait3A_203 = arith.constant 0 : i32
      %dma_wait3A_204 = tpu.memref_slice %arg2[%dma_wait3A_202, %dma_wait3A_203] : memref<320000x128xf32, #tpu.memory_space<hbm>> -> memref<80x128xf32, #tpu.memory_space<hbm>>
      %dma_wait3A_205 = arith.constant 0 : i32
      %dma_wait3A_206 = arith.constant 0 : i32
      %dma_wait3A_207 = tpu.memref_slice %arg7[%dma_wait3A_197, %dma_wait3A_205, %dma_wait3A_206] : memref<4x80x128xf32, #tpu.memory_space<vmem>> -> memref<1x80x128xf32, #tpu.memory_space<vmem>>
      %dma_wait3A_208 = tpu.memref_squeeze %dma_wait3A_207 : memref<1x80x128xf32, #tpu.memory_space<vmem>> -> memref<80x128xf32, #tpu.memory_space<vmem>>
      %dma_wait3A_209 = arith.constant 0 : i32
      %dma_wait3A_210 = arith.constant 0 : i32
      %dma_wait3A_211 = tpu.memref_slice %arg2[%dma_wait3A_209, %dma_wait3A_210] : memref<320000x128xf32, #tpu.memory_space<hbm>> -> memref<80x128xf32, #tpu.memory_space<hbm>>
      tpu.wait_dma2 semaphore(%arg11 : memref<!tpu.dma_semaphore, #tpu.memory_space<semaphore_mem>>) src(%dma_wait3A_211 : memref<80x128xf32, #tpu.memory_space<hbm>>) dst(%dma_wait3A_208 : memref<80x128xf32, #tpu.memory_space<vmem>>)
      %dma_start3A_212 = arith.constant 2 : i32
      %dma_start3A_213 = arith.constant 0 : i32
      %dma_start3A_214 = arith.constant 0 : i32
      %dma_start3A_215 = tpu.memref_slice %arg7[%dma_start3A_212, %dma_start3A_213, %dma_start3A_214] : memref<4x80x128xf32, #tpu.memory_space<vmem>> -> memref<1x80x128xf32, #tpu.memory_space<vmem>>
      %dma_start3A_216 = tpu.memref_squeeze %dma_start3A_215 : memref<1x80x128xf32, #tpu.memory_space<vmem>> -> memref<80x128xf32, #tpu.memory_space<vmem>>
      %dma_start3A_217 = arith.constant 0 : i32
      %dma_start3A_218 = tpu.memref_slice %arg6[%select_n3A_196, %dma_start3A_217] : memref<64x80xi32, #tpu.memory_space<vmem>> -> memref<1x80xi32, #tpu.memory_space<vmem>>
      %dma_start3A_219 = tpu.memref_squeeze %dma_start3A_218 : memref<1x80xi32, #tpu.memory_space<vmem>> -> memref<80xi32, #tpu.memory_space<vmem>>
      %dma_start3A_220 = arith.constant 0 : i32
      %dma_start3A_221 = arith.constant 0 : i32
      %dma_start3A_222 = tpu.memref_slice %arg8[%dma_start3A_220, %dma_start3A_221] : memref<10000x128xf32, #tpu.memory_space<vmem_shared>> -> memref<10000x128xf32, #tpu.memory_space<vmem_shared>>
      tpu.enqueue_indirect_dma source(%dma_start3A_216 : memref<80x128xf32, #tpu.memory_space<vmem>>) target(%dma_start3A_222 : memref<10000x128xf32, #tpu.memory_space<vmem_shared>>) offsets(%dma_start3A_219 : memref<80xi32, #tpu.memory_space<vmem>>) semaphore(%arg11 : memref<!tpu.dma_semaphore, #tpu.memory_space<semaphore_mem>>) {add = true}
      %mul3A_223 = arith.constant 4 : i32
      %mul3A_224 = arith.muli %scan3A_115, %mul3A_223 : i32
      %add3A_225 = arith.constant 3 : i32
      %add3A_226 = arith.addi %mul3A_224, %add3A_225 : i32
      %ge3A_227 = arith.constant 64 : i32
      %ge3A_228 = arith.cmpi sge, %add3A_226, %ge3A_227 : i32
      %sub3A_229 = arith.constant 64 : i32
      %sub3A_230 = arith.subi %add3A_226, %sub3A_229 : i32
      %select_n3A_231 = arith.select %ge3A_228, %sub3A_230, %add3A_226 : i32
      %dma_wait3A_232 = arith.constant 3 : i32
      %dma_wait3A_233 = arith.constant 0 : i32
      %dma_wait3A_234 = arith.constant 0 : i32
      %dma_wait3A_235 = tpu.memref_slice %arg7[%dma_wait3A_232, %dma_wait3A_233, %dma_wait3A_234] : memref<4x80x128xf32, #tpu.memory_space<vmem>> -> memref<1x80x128xf32, #tpu.memory_space<vmem>>
      %dma_wait3A_236 = tpu.memref_squeeze %dma_wait3A_235 : memref<1x80x128xf32, #tpu.memory_space<vmem>> -> memref<80x128xf32, #tpu.memory_space<vmem>>
      %dma_wait3A_237 = arith.constant 0 : i32
      %dma_wait3A_238 = arith.constant 0 : i32
      %dma_wait3A_239 = tpu.memref_slice %arg2[%dma_wait3A_237, %dma_wait3A_238] : memref<320000x128xf32, #tpu.memory_space<hbm>> -> memref<80x128xf32, #tpu.memory_space<hbm>>
      %dma_wait3A_240 = arith.constant 0 : i32
      %dma_wait3A_241 = arith.constant 0 : i32
      %dma_wait3A_242 = tpu.memref_slice %arg7[%dma_wait3A_232, %dma_wait3A_240, %dma_wait3A_241] : memref<4x80x128xf32, #tpu.memory_space<vmem>> -> memref<1x80x128xf32, #tpu.memory_space<vmem>>
      %dma_wait3A_243 = tpu.memref_squeeze %dma_wait3A_242 : memref<1x80x128xf32, #tpu.memory_space<vmem>> -> memref<80x128xf32, #tpu.memory_space<vmem>>
      %dma_wait3A_244 = arith.constant 0 : i32
      %dma_wait3A_245 = arith.constant 0 : i32
      %dma_wait3A_246 = tpu.memref_slice %arg2[%dma_wait3A_244, %dma_wait3A_245] : memref<320000x128xf32, #tpu.memory_space<hbm>> -> memref<80x128xf32, #tpu.memory_space<hbm>>
      tpu.wait_dma2 semaphore(%arg12 : memref<!tpu.dma_semaphore, #tpu.memory_space<semaphore_mem>>) src(%dma_wait3A_246 : memref<80x128xf32, #tpu.memory_space<hbm>>) dst(%dma_wait3A_243 : memref<80x128xf32, #tpu.memory_space<vmem>>)
      %dma_start3A_247 = arith.constant 3 : i32
      %dma_start3A_248 = arith.constant 0 : i32
      %dma_start3A_249 = arith.constant 0 : i32
      %dma_start3A_250 = tpu.memref_slice %arg7[%dma_start3A_247, %dma_start3A_248, %dma_start3A_249] : memref<4x80x128xf32, #tpu.memory_space<vmem>> -> memref<1x80x128xf32, #tpu.memory_space<vmem>>
      %dma_start3A_251 = tpu.memref_squeeze %dma_start3A_250 : memref<1x80x128xf32, #tpu.memory_space<vmem>> -> memref<80x128xf32, #tpu.memory_space<vmem>>
      %dma_start3A_252 = arith.constant 0 : i32
      %dma_start3A_253 = tpu.memref_slice %arg6[%select_n3A_231, %dma_start3A_252] : memref<64x80xi32, #tpu.memory_space<vmem>> -> memref<1x80xi32, #tpu.memory_space<vmem>>
      %dma_start3A_254 = tpu.memref_squeeze %dma_start3A_253 : memref<1x80xi32, #tpu.memory_space<vmem>> -> memref<80xi32, #tpu.memory_space<vmem>>
      %dma_start3A_255 = arith.constant 0 : i32
      %dma_start3A_256 = arith.constant 0 : i32
      %dma_start3A_257 = tpu.memref_slice %arg8[%dma_start3A_255, %dma_start3A_256] : memref<10000x128xf32, #tpu.memory_space<vmem_shared>> -> memref<10000x128xf32, #tpu.memory_space<vmem_shared>>
      tpu.enqueue_indirect_dma source(%dma_start3A_251 : memref<80x128xf32, #tpu.memory_space<vmem>>) target(%dma_start3A_257 : memref<10000x128xf32, #tpu.memory_space<vmem_shared>>) offsets(%dma_start3A_254 : memref<80xi32, #tpu.memory_space<vmem>>) semaphore(%arg12 : memref<!tpu.dma_semaphore, #tpu.memory_space<semaphore_mem>>) {add = true}
      %add3A_258 = arith.constant 1 : i32
      %add3A_259 = arith.addi %scan3A_115, %add3A_258 : i32
      %mul3A_260 = arith.constant 4 : i32
      %mul3A_261 = arith.muli %add3A_259, %mul3A_260 : i32
      %add3A_262 = arith.constant 0 : i32
      %add3A_263 = arith.addi %mul3A_261, %add3A_262 : i32
      %dma_wait3A_264 = arith.constant 0 : i32
      %dma_wait3A_265 = arith.constant 0 : i32
      %dma_wait3A_266 = arith.constant 0 : i32
      %dma_wait3A_267 = tpu.memref_slice %arg7[%dma_wait3A_264, %dma_wait3A_265, %dma_wait3A_266] : memref<4x80x128xf32, #tpu.memory_space<vmem>> -> memref<1x80x128xf32, #tpu.memory_space<vmem>>
      %dma_wait3A_268 = tpu.memref_squeeze %dma_wait3A_267 : memref<1x80x128xf32, #tpu.memory_space<vmem>> -> memref<80x128xf32, #tpu.memory_space<vmem>>
      %dma_wait3A_269 = arith.constant 0 : i32
      %dma_wait3A_270 = tpu.memref_slice %arg6[%select_n3A, %dma_wait3A_269] : memref<64x80xi32, #tpu.memory_space<vmem>> -> memref<1x80xi32, #tpu.memory_space<vmem>>
      %dma_wait3A_271 = tpu.memref_squeeze %dma_wait3A_270 : memref<1x80xi32, #tpu.memory_space<vmem>> -> memref<80xi32, #tpu.memory_space<vmem>>
      %dma_wait3A_272 = arith.constant 0 : i32
      %dma_wait3A_273 = arith.constant 0 : i32
      %dma_wait3A_274 = tpu.memref_slice %arg8[%dma_wait3A_272, %dma_wait3A_273] : memref<10000x128xf32, #tpu.memory_space<vmem_shared>> -> memref<10000x128xf32, #tpu.memory_space<vmem_shared>>
      tpu.wait_indirect_dma semaphore(%arg9 : memref<!tpu.dma_semaphore, #tpu.memory_space<semaphore_mem>>) src(%dma_wait3A_268 : memref<80x128xf32, #tpu.memory_space<vmem>>) dst(%dma_wait3A_274 : memref<10000x128xf32, #tpu.memory_space<vmem_shared>>)
      %lt3A = arith.constant 125 : i32
      %lt3A_275 = arith.cmpi slt, %add3A_263, %lt3A : i32
      %convert_element_type3A_276 = arith.extui %lt3A_275 : i1 to i32
      %cond3A_277 = arith.constant 0 : i32
      %cond3A_278 = arith.cmpi ne, %convert_element_type3A_276, %cond3A_277 : i32
      scf.if %cond3A_278 {
        %mul3A_345 = arith.constant 80 : i32
        %mul3A_346 = arith.muli %add3A_263, %mul3A_345 : i32
        %add3A_347 = arith.addi %mul3A_2, %mul3A_346 : i32
        %dma_start3A_348 = arith.constant 0 : i32
        %dma_start3A_349 = arith.constant 0 : i32
        %dma_start3A_350 = arith.constant 0 : i32
        %dma_start3A_351 = tpu.memref_slice %arg7[%dma_start3A_348, %dma_start3A_349, %dma_start3A_350] : memref<4x80x128xf32, #tpu.memory_space<vmem>> -> memref<1x80x128xf32, #tpu.memory_space<vmem>>
        %dma_start3A_352 = tpu.memref_squeeze %dma_start3A_351 : memref<1x80x128xf32, #tpu.memory_space<vmem>> -> memref<80x128xf32, #tpu.memory_space<vmem>>
        %dma_start3A_353 = arith.constant 0 : i32
        %dma_start3A_354 = tpu.memref_slice %arg2[%add3A_347, %dma_start3A_353] : memref<320000x128xf32, #tpu.memory_space<hbm>> -> memref<80x128xf32, #tpu.memory_space<hbm>>
        %dma_start3A_355 = arith.constant 0 : i32
        %dma_start3A_356 = arith.constant 0 : i32
        %dma_start3A_357 = tpu.memref_slice %arg7[%dma_start3A_348, %dma_start3A_355, %dma_start3A_356] : memref<4x80x128xf32, #tpu.memory_space<vmem>> -> memref<1x80x128xf32, #tpu.memory_space<vmem>>
        %dma_start3A_358 = tpu.memref_squeeze %dma_start3A_357 : memref<1x80x128xf32, #tpu.memory_space<vmem>> -> memref<80x128xf32, #tpu.memory_space<vmem>>
        %dma_start3A_359 = arith.constant 0 : i32
        %dma_start3A_360 = tpu.memref_slice %arg2[%add3A_347, %dma_start3A_359] : memref<320000x128xf32, #tpu.memory_space<hbm>> -> memref<80x128xf32, #tpu.memory_space<hbm>>
        tpu.enqueue_dma source(%dma_start3A_360 : memref<80x128xf32, #tpu.memory_space<hbm>>) target(%dma_start3A_358 : memref<80x128xf32, #tpu.memory_space<vmem>>) target_semaphore(%arg9 : memref<!tpu.dma_semaphore, #tpu.memory_space<semaphore_mem>>)
      } else {
      }
      %add3A_279 = arith.constant 1 : i32
      %add3A_280 = arith.addi %scan3A_115, %add3A_279 : i32
      %mul3A_281 = arith.constant 4 : i32
      %mul3A_282 = arith.muli %add3A_280, %mul3A_281 : i32
      %add3A_283 = arith.constant 1 : i32
      %add3A_284 = arith.addi %mul3A_282, %add3A_283 : i32
      %dma_wait3A_285 = arith.constant 1 : i32
      %dma_wait3A_286 = arith.constant 0 : i32
      %dma_wait3A_287 = arith.constant 0 : i32
      %dma_wait3A_288 = tpu.memref_slice %arg7[%dma_wait3A_285, %dma_wait3A_286, %dma_wait3A_287] : memref<4x80x128xf32, #tpu.memory_space<vmem>> -> memref<1x80x128xf32, #tpu.memory_space<vmem>>
      %dma_wait3A_289 = tpu.memref_squeeze %dma_wait3A_288 : memref<1x80x128xf32, #tpu.memory_space<vmem>> -> memref<80x128xf32, #tpu.memory_space<vmem>>
      %dma_wait3A_290 = arith.constant 0 : i32
      %dma_wait3A_291 = tpu.memref_slice %arg6[%select_n3A_161, %dma_wait3A_290] : memref<64x80xi32, #tpu.memory_space<vmem>> -> memref<1x80xi32, #tpu.memory_space<vmem>>
      %dma_wait3A_292 = tpu.memref_squeeze %dma_wait3A_291 : memref<1x80xi32, #tpu.memory_space<vmem>> -> memref<80xi32, #tpu.memory_space<vmem>>
      %dma_wait3A_293 = arith.constant 0 : i32
      %dma_wait3A_294 = arith.constant 0 : i32
      %dma_wait3A_295 = tpu.memref_slice %arg8[%dma_wait3A_293, %dma_wait3A_294] : memref<10000x128xf32, #tpu.memory_space<vmem_shared>> -> memref<10000x128xf32, #tpu.memory_space<vmem_shared>>
      tpu.wait_indirect_dma semaphore(%arg10 : memref<!tpu.dma_semaphore, #tpu.memory_space<semaphore_mem>>) src(%dma_wait3A_289 : memref<80x128xf32, #tpu.memory_space<vmem>>) dst(%dma_wait3A_295 : memref<10000x128xf32, #tpu.memory_space<vmem_shared>>)
      %lt3A_296 = arith.constant 125 : i32
      %lt3A_297 = arith.cmpi slt, %add3A_284, %lt3A_296 : i32
      %convert_element_type3A_298 = arith.extui %lt3A_297 : i1 to i32
      %cond3A_299 = arith.constant 0 : i32
      %cond3A_300 = arith.cmpi ne, %convert_element_type3A_298, %cond3A_299 : i32
      scf.if %cond3A_300 {
        %mul3A_345 = arith.constant 80 : i32
        %mul3A_346 = arith.muli %add3A_284, %mul3A_345 : i32
        %add3A_347 = arith.addi %mul3A_2, %mul3A_346 : i32
        %dma_start3A_348 = arith.constant 1 : i32
        %dma_start3A_349 = arith.constant 0 : i32
        %dma_start3A_350 = arith.constant 0 : i32
        %dma_start3A_351 = tpu.memref_slice %arg7[%dma_start3A_348, %dma_start3A_349, %dma_start3A_350] : memref<4x80x128xf32, #tpu.memory_space<vmem>> -> memref<1x80x128xf32, #tpu.memory_space<vmem>>
        %dma_start3A_352 = tpu.memref_squeeze %dma_start3A_351 : memref<1x80x128xf32, #tpu.memory_space<vmem>> -> memref<80x128xf32, #tpu.memory_space<vmem>>
        %dma_start3A_353 = arith.constant 0 : i32
        %dma_start3A_354 = tpu.memref_slice %arg2[%add3A_347, %dma_start3A_353] : memref<320000x128xf32, #tpu.memory_space<hbm>> -> memref<80x128xf32, #tpu.memory_space<hbm>>
        %dma_start3A_355 = arith.constant 0 : i32
        %dma_start3A_356 = arith.constant 0 : i32
        %dma_start3A_357 = tpu.memref_slice %arg7[%dma_start3A_348, %dma_start3A_355, %dma_start3A_356] : memref<4x80x128xf32, #tpu.memory_space<vmem>> -> memref<1x80x128xf32, #tpu.memory_space<vmem>>
        %dma_start3A_358 = tpu.memref_squeeze %dma_start3A_357 : memref<1x80x128xf32, #tpu.memory_space<vmem>> -> memref<80x128xf32, #tpu.memory_space<vmem>>
        %dma_start3A_359 = arith.constant 0 : i32
        %dma_start3A_360 = tpu.memref_slice %arg2[%add3A_347, %dma_start3A_359] : memref<320000x128xf32, #tpu.memory_space<hbm>> -> memref<80x128xf32, #tpu.memory_space<hbm>>
        tpu.enqueue_dma source(%dma_start3A_360 : memref<80x128xf32, #tpu.memory_space<hbm>>) target(%dma_start3A_358 : memref<80x128xf32, #tpu.memory_space<vmem>>) target_semaphore(%arg10 : memref<!tpu.dma_semaphore, #tpu.memory_space<semaphore_mem>>)
      } else {
      }
      %add3A_301 = arith.constant 1 : i32
      %add3A_302 = arith.addi %scan3A_115, %add3A_301 : i32
      %mul3A_303 = arith.constant 4 : i32
      %mul3A_304 = arith.muli %add3A_302, %mul3A_303 : i32
      %add3A_305 = arith.constant 2 : i32
      %add3A_306 = arith.addi %mul3A_304, %add3A_305 : i32
      %dma_wait3A_307 = arith.constant 2 : i32
      %dma_wait3A_308 = arith.constant 0 : i32
      %dma_wait3A_309 = arith.constant 0 : i32
      %dma_wait3A_310 = tpu.memref_slice %arg7[%dma_wait3A_307, %dma_wait3A_308, %dma_wait3A_309] : memref<4x80x128xf32, #tpu.memory_space<vmem>> -> memref<1x80x128xf32, #tpu.memory_space<vmem>>
      %dma_wait3A_311 = tpu.memref_squeeze %dma_wait3A_310 : memref<1x80x128xf32, #tpu.memory_space<vmem>> -> memref<80x128xf32, #tpu.memory_space<vmem>>
      %dma_wait3A_312 = arith.constant 0 : i32
      %dma_wait3A_313 = tpu.memref_slice %arg6[%select_n3A_196, %dma_wait3A_312] : memref<64x80xi32, #tpu.memory_space<vmem>> -> memref<1x80xi32, #tpu.memory_space<vmem>>
      %dma_wait3A_314 = tpu.memref_squeeze %dma_wait3A_313 : memref<1x80xi32, #tpu.memory_space<vmem>> -> memref<80xi32, #tpu.memory_space<vmem>>
      %dma_wait3A_315 = arith.constant 0 : i32
      %dma_wait3A_316 = arith.constant 0 : i32
      %dma_wait3A_317 = tpu.memref_slice %arg8[%dma_wait3A_315, %dma_wait3A_316] : memref<10000x128xf32, #tpu.memory_space<vmem_shared>> -> memref<10000x128xf32, #tpu.memory_space<vmem_shared>>
      tpu.wait_indirect_dma semaphore(%arg11 : memref<!tpu.dma_semaphore, #tpu.memory_space<semaphore_mem>>) src(%dma_wait3A_311 : memref<80x128xf32, #tpu.memory_space<vmem>>) dst(%dma_wait3A_317 : memref<10000x128xf32, #tpu.memory_space<vmem_shared>>)
      %lt3A_318 = arith.constant 125 : i32
      %lt3A_319 = arith.cmpi slt, %add3A_306, %lt3A_318 : i32
      %convert_element_type3A_320 = arith.extui %lt3A_319 : i1 to i32
      %cond3A_321 = arith.constant 0 : i32
      %cond3A_322 = arith.cmpi ne, %convert_element_type3A_320, %cond3A_321 : i32
      scf.if %cond3A_322 {
        %mul3A_345 = arith.constant 80 : i32
        %mul3A_346 = arith.muli %add3A_306, %mul3A_345 : i32
        %add3A_347 = arith.addi %mul3A_2, %mul3A_346 : i32
        %dma_start3A_348 = arith.constant 2 : i32
        %dma_start3A_349 = arith.constant 0 : i32
        %dma_start3A_350 = arith.constant 0 : i32
        %dma_start3A_351 = tpu.memref_slice %arg7[%dma_start3A_348, %dma_start3A_349, %dma_start3A_350] : memref<4x80x128xf32, #tpu.memory_space<vmem>> -> memref<1x80x128xf32, #tpu.memory_space<vmem>>
        %dma_start3A_352 = tpu.memref_squeeze %dma_start3A_351 : memref<1x80x128xf32, #tpu.memory_space<vmem>> -> memref<80x128xf32, #tpu.memory_space<vmem>>
        %dma_start3A_353 = arith.constant 0 : i32
        %dma_start3A_354 = tpu.memref_slice %arg2[%add3A_347, %dma_start3A_353] : memref<320000x128xf32, #tpu.memory_space<hbm>> -> memref<80x128xf32, #tpu.memory_space<hbm>>
        %dma_start3A_355 = arith.constant 0 : i32
        %dma_start3A_356 = arith.constant 0 : i32
        %dma_start3A_357 = tpu.memref_slice %arg7[%dma_start3A_348, %dma_start3A_355, %dma_start3A_356] : memref<4x80x128xf32, #tpu.memory_space<vmem>> -> memref<1x80x128xf32, #tpu.memory_space<vmem>>
        %dma_start3A_358 = tpu.memref_squeeze %dma_start3A_357 : memref<1x80x128xf32, #tpu.memory_space<vmem>> -> memref<80x128xf32, #tpu.memory_space<vmem>>
        %dma_start3A_359 = arith.constant 0 : i32
        %dma_start3A_360 = tpu.memref_slice %arg2[%add3A_347, %dma_start3A_359] : memref<320000x128xf32, #tpu.memory_space<hbm>> -> memref<80x128xf32, #tpu.memory_space<hbm>>
        tpu.enqueue_dma source(%dma_start3A_360 : memref<80x128xf32, #tpu.memory_space<hbm>>) target(%dma_start3A_358 : memref<80x128xf32, #tpu.memory_space<vmem>>) target_semaphore(%arg11 : memref<!tpu.dma_semaphore, #tpu.memory_space<semaphore_mem>>)
      } else {
      }
      %add3A_323 = arith.constant 1 : i32
      %add3A_324 = arith.addi %scan3A_115, %add3A_323 : i32
      %mul3A_325 = arith.constant 4 : i32
      %mul3A_326 = arith.muli %add3A_324, %mul3A_325 : i32
      %add3A_327 = arith.constant 3 : i32
      %add3A_328 = arith.addi %mul3A_326, %add3A_327 : i32
      %dma_wait3A_329 = arith.constant 3 : i32
      %dma_wait3A_330 = arith.constant 0 : i32
      %dma_wait3A_331 = arith.constant 0 : i32
      %dma_wait3A_332 = tpu.memref_slice %arg7[%dma_wait3A_329, %dma_wait3A_330, %dma_wait3A_331] : memref<4x80x128xf32, #tpu.memory_space<vmem>> -> memref<1x80x128xf32, #tpu.memory_space<vmem>>
      %dma_wait3A_333 = tpu.memref_squeeze %dma_wait3A_332 : memref<1x80x128xf32, #tpu.memory_space<vmem>> -> memref<80x128xf32, #tpu.memory_space<vmem>>
      %dma_wait3A_334 = arith.constant 0 : i32
      %dma_wait3A_335 = tpu.memref_slice %arg6[%select_n3A_231, %dma_wait3A_334] : memref<64x80xi32, #tpu.memory_space<vmem>> -> memref<1x80xi32, #tpu.memory_space<vmem>>
      %dma_wait3A_336 = tpu.memref_squeeze %dma_wait3A_335 : memref<1x80xi32, #tpu.memory_space<vmem>> -> memref<80xi32, #tpu.memory_space<vmem>>
      %dma_wait3A_337 = arith.constant 0 : i32
      %dma_wait3A_338 = arith.constant 0 : i32
      %dma_wait3A_339 = tpu.memref_slice %arg8[%dma_wait3A_337, %dma_wait3A_338] : memref<10000x128xf32, #tpu.memory_space<vmem_shared>> -> memref<10000x128xf32, #tpu.memory_space<vmem_shared>>
      tpu.wait_indirect_dma semaphore(%arg12 : memref<!tpu.dma_semaphore, #tpu.memory_space<semaphore_mem>>) src(%dma_wait3A_333 : memref<80x128xf32, #tpu.memory_space<vmem>>) dst(%dma_wait3A_339 : memref<10000x128xf32, #tpu.memory_space<vmem_shared>>)
      %lt3A_340 = arith.constant 125 : i32
      %lt3A_341 = arith.cmpi slt, %add3A_328, %lt3A_340 : i32
      %convert_element_type3A_342 = arith.extui %lt3A_341 : i1 to i32
      %cond3A_343 = arith.constant 0 : i32
      %cond3A_344 = arith.cmpi ne, %convert_element_type3A_342, %cond3A_343 : i32
      scf.if %cond3A_344 {
        %mul3A_345 = arith.constant 80 : i32
        %mul3A_346 = arith.muli %add3A_328, %mul3A_345 : i32
        %add3A_347 = arith.addi %mul3A_2, %mul3A_346 : i32
        %dma_start3A_348 = arith.constant 3 : i32
        %dma_start3A_349 = arith.constant 0 : i32
        %dma_start3A_350 = arith.constant 0 : i32
        %dma_start3A_351 = tpu.memref_slice %arg7[%dma_start3A_348, %dma_start3A_349, %dma_start3A_350] : memref<4x80x128xf32, #tpu.memory_space<vmem>> -> memref<1x80x128xf32, #tpu.memory_space<vmem>>
        %dma_start3A_352 = tpu.memref_squeeze %dma_start3A_351 : memref<1x80x128xf32, #tpu.memory_space<vmem>> -> memref<80x128xf32, #tpu.memory_space<vmem>>
        %dma_start3A_353 = arith.constant 0 : i32
        %dma_start3A_354 = tpu.memref_slice %arg2[%add3A_347, %dma_start3A_353] : memref<320000x128xf32, #tpu.memory_space<hbm>> -> memref<80x128xf32, #tpu.memory_space<hbm>>
        %dma_start3A_355 = arith.constant 0 : i32
        %dma_start3A_356 = arith.constant 0 : i32
        %dma_start3A_357 = tpu.memref_slice %arg7[%dma_start3A_348, %dma_start3A_355, %dma_start3A_356] : memref<4x80x128xf32, #tpu.memory_space<vmem>> -> memref<1x80x128xf32, #tpu.memory_space<vmem>>
        %dma_start3A_358 = tpu.memref_squeeze %dma_start3A_357 : memref<1x80x128xf32, #tpu.memory_space<vmem>> -> memref<80x128xf32, #tpu.memory_space<vmem>>
        %dma_start3A_359 = arith.constant 0 : i32
        %dma_start3A_360 = tpu.memref_slice %arg2[%add3A_347, %dma_start3A_359] : memref<320000x128xf32, #tpu.memory_space<hbm>> -> memref<80x128xf32, #tpu.memory_space<hbm>>
        tpu.enqueue_dma source(%dma_start3A_360 : memref<80x128xf32, #tpu.memory_space<hbm>>) target(%dma_start3A_358 : memref<80x128xf32, #tpu.memory_space<vmem>>) target_semaphore(%arg12 : memref<!tpu.dma_semaphore, #tpu.memory_space<semaphore_mem>>)
      } else {
      }
    }
    %scan3A_70 = arith.constant 31 : i32
    %dma_wait3A = arith.constant 0 : i32
    %dma_wait3A_71 = arith.constant 0 : i32
    %dma_wait3A_72 = arith.constant 0 : i32
    %dma_wait3A_73 = tpu.memref_slice %arg7[%dma_wait3A, %dma_wait3A_71, %dma_wait3A_72] : memref<4x80x128xf32, #tpu.memory_space<vmem>> -> memref<1x80x128xf32, #tpu.memory_space<vmem>>
    %dma_wait3A_74 = tpu.memref_squeeze %dma_wait3A_73 : memref<1x80x128xf32, #tpu.memory_space<vmem>> -> memref<80x128xf32, #tpu.memory_space<vmem>>
    %dma_wait3A_75 = arith.constant 0 : i32
    %dma_wait3A_76 = arith.constant 0 : i32
    %dma_wait3A_77 = tpu.memref_slice %arg2[%dma_wait3A_75, %dma_wait3A_76] : memref<320000x128xf32, #tpu.memory_space<hbm>> -> memref<80x128xf32, #tpu.memory_space<hbm>>
    %dma_wait3A_78 = arith.constant 0 : i32
    %dma_wait3A_79 = arith.constant 0 : i32
    %dma_wait3A_80 = tpu.memref_slice %arg7[%dma_wait3A, %dma_wait3A_78, %dma_wait3A_79] : memref<4x80x128xf32, #tpu.memory_space<vmem>> -> memref<1x80x128xf32, #tpu.memory_space<vmem>>
    %dma_wait3A_81 = tpu.memref_squeeze %dma_wait3A_80 : memref<1x80x128xf32, #tpu.memory_space<vmem>> -> memref<80x128xf32, #tpu.memory_space<vmem>>
    %dma_wait3A_82 = arith.constant 0 : i32
    %dma_wait3A_83 = arith.constant 0 : i32
    %dma_wait3A_84 = tpu.memref_slice %arg2[%dma_wait3A_82, %dma_wait3A_83] : memref<320000x128xf32, #tpu.memory_space<hbm>> -> memref<80x128xf32, #tpu.memory_space<hbm>>
    tpu.wait_dma2 semaphore(%arg9 : memref<!tpu.dma_semaphore, #tpu.memory_space<semaphore_mem>>) src(%dma_wait3A_84 : memref<80x128xf32, #tpu.memory_space<hbm>>) dst(%dma_wait3A_81 : memref<80x128xf32, #tpu.memory_space<vmem>>)
    %dma_start3A_85 = arith.constant 0 : i32
    %dma_start3A_86 = arith.constant 60 : i32
    %dma_start3A_87 = arith.constant 0 : i32
    %dma_start3A_88 = arith.constant 0 : i32
    %dma_start3A_89 = tpu.memref_slice %arg7[%dma_start3A_85, %dma_start3A_87, %dma_start3A_88] : memref<4x80x128xf32, #tpu.memory_space<vmem>> -> memref<1x80x128xf32, #tpu.memory_space<vmem>>
    %dma_start3A_90 = tpu.memref_squeeze %dma_start3A_89 : memref<1x80x128xf32, #tpu.memory_space<vmem>> -> memref<80x128xf32, #tpu.memory_space<vmem>>
    %dma_start3A_91 = arith.constant 0 : i32
    %dma_start3A_92 = tpu.memref_slice %arg6[%dma_start3A_86, %dma_start3A_91] : memref<64x80xi32, #tpu.memory_space<vmem>> -> memref<1x80xi32, #tpu.memory_space<vmem>>
    %dma_start3A_93 = tpu.memref_squeeze %dma_start3A_92 : memref<1x80xi32, #tpu.memory_space<vmem>> -> memref<80xi32, #tpu.memory_space<vmem>>
    %dma_start3A_94 = arith.constant 0 : i32
    %dma_start3A_95 = arith.constant 0 : i32
    %dma_start3A_96 = tpu.memref_slice %arg8[%dma_start3A_94, %dma_start3A_95] : memref<10000x128xf32, #tpu.memory_space<vmem_shared>> -> memref<10000x128xf32, #tpu.memory_space<vmem_shared>>
    tpu.enqueue_indirect_dma source(%dma_start3A_90 : memref<80x128xf32, #tpu.memory_space<vmem>>) target(%dma_start3A_96 : memref<10000x128xf32, #tpu.memory_space<vmem_shared>>) offsets(%dma_start3A_93 : memref<80xi32, #tpu.memory_space<vmem>>) semaphore(%arg9 : memref<!tpu.dma_semaphore, #tpu.memory_space<semaphore_mem>>) {add = true}
    %dma_wait3A_97 = arith.constant 0 : i32
    %dma_wait3A_98 = arith.constant 60 : i32
    %dma_wait3A_99 = arith.constant 0 : i32
    %dma_wait3A_100 = arith.constant 0 : i32
    %dma_wait3A_101 = tpu.memref_slice %arg7[%dma_wait3A_97, %dma_wait3A_99, %dma_wait3A_100] : memref<4x80x128xf32, #tpu.memory_space<vmem>> -> memref<1x80x128xf32, #tpu.memory_space<vmem>>
    %dma_wait3A_102 = tpu.memref_squeeze %dma_wait3A_101 : memref<1x80x128xf32, #tpu.memory_space<vmem>> -> memref<80x128xf32, #tpu.memory_space<vmem>>
    %dma_wait3A_103 = arith.constant 0 : i32
    %dma_wait3A_104 = tpu.memref_slice %arg6[%dma_wait3A_98, %dma_wait3A_103] : memref<64x80xi32, #tpu.memory_space<vmem>> -> memref<1x80xi32, #tpu.memory_space<vmem>>
    %dma_wait3A_105 = tpu.memref_squeeze %dma_wait3A_104 : memref<1x80xi32, #tpu.memory_space<vmem>> -> memref<80xi32, #tpu.memory_space<vmem>>
    %dma_wait3A_106 = arith.constant 0 : i32
    %dma_wait3A_107 = arith.constant 0 : i32
    %dma_wait3A_108 = tpu.memref_slice %arg8[%dma_wait3A_106, %dma_wait3A_107] : memref<10000x128xf32, #tpu.memory_space<vmem_shared>> -> memref<10000x128xf32, #tpu.memory_space<vmem_shared>>
    tpu.wait_indirect_dma semaphore(%arg9 : memref<!tpu.dma_semaphore, #tpu.memory_space<semaphore_mem>>) src(%dma_wait3A_102 : memref<80x128xf32, #tpu.memory_space<vmem>>) dst(%dma_wait3A_108 : memref<10000x128xf32, #tpu.memory_space<vmem_shared>>)
    %barrier3A_109 = arith.constant 0 : index
    tpu.barrier barrier_id(%barrier3A_109)
    "tpu.region"() ({
      %run_scoped3A = tpu.sem_alloc : memref<!tpu.dma_semaphore, #tpu.memory_space<semaphore_mem>>
      %dma_start3A_115 = arith.constant 0 : i32
      %dma_start3A_116 = arith.constant 0 : i32
      %dma_start3A_117 = tpu.memref_slice %arg5[%arg0, %dma_start3A_115, %dma_start3A_116] : memref<2x10000x128xf32, #tpu.memory_space<hbm>> -> memref<1x10000x128xf32, #tpu.memory_space<hbm>>
      %dma_start3A_118 = tpu.memref_squeeze %dma_start3A_117 : memref<1x10000x128xf32, #tpu.memory_space<hbm>> -> memref<10000x128xf32, #tpu.memory_space<hbm>>
      %dma_start3A_119 = arith.constant 0 : i32
      %dma_start3A_120 = tpu.memref_slice %dma_start3A_118[%mul3A_4, %dma_start3A_119] : memref<10000x128xf32, #tpu.memory_space<hbm>> -> memref<624x128xf32, #tpu.memory_space<hbm>>
      %dma_start3A_121 = arith.constant 0 : i32
      %dma_start3A_122 = tpu.memref_slice %arg8[%mul3A_4, %dma_start3A_121] : memref<10000x128xf32, #tpu.memory_space<vmem_shared>> -> memref<624x128xf32, #tpu.memory_space<vmem_shared>>
      tpu.enqueue_dma source(%dma_start3A_122 : memref<624x128xf32, #tpu.memory_space<vmem_shared>>) target(%dma_start3A_120 : memref<624x128xf32, #tpu.memory_space<hbm>>) target_semaphore(%run_scoped3A : memref<!tpu.dma_semaphore, #tpu.memory_space<semaphore_mem>>)
      %dma_wait3A_123 = arith.constant 0 : i32
      %dma_wait3A_124 = arith.constant 0 : i32
      %dma_wait3A_125 = tpu.memref_slice %arg5[%arg0, %dma_wait3A_123, %dma_wait3A_124] : memref<2x10000x128xf32, #tpu.memory_space<hbm>> -> memref<1x10000x128xf32, #tpu.memory_space<hbm>>
      %dma_wait3A_126 = tpu.memref_squeeze %dma_wait3A_125 : memref<1x10000x128xf32, #tpu.memory_space<hbm>> -> memref<10000x128xf32, #tpu.memory_space<hbm>>
      %dma_wait3A_127 = arith.constant 0 : i32
      %dma_wait3A_128 = tpu.memref_slice %dma_wait3A_126[%mul3A_4, %dma_wait3A_127] : memref<10000x128xf32, #tpu.memory_space<hbm>> -> memref<624x128xf32, #tpu.memory_space<hbm>>
      %dma_wait3A_129 = arith.constant 0 : i32
      %dma_wait3A_130 = tpu.memref_slice %arg8[%mul3A_4, %dma_wait3A_129] : memref<10000x128xf32, #tpu.memory_space<vmem_shared>> -> memref<624x128xf32, #tpu.memory_space<vmem_shared>>
      tpu.wait_dma2 semaphore(%run_scoped3A : memref<!tpu.dma_semaphore, #tpu.memory_space<semaphore_mem>>) src(%dma_wait3A_130 : memref<624x128xf32, #tpu.memory_space<vmem_shared>>) dst(%dma_wait3A_128 : memref<624x128xf32, #tpu.memory_space<hbm>>)
      tpu.yield
    }) : () -> ()
    %eq3A_110 = arith.constant 0 : i32
    %eq3A_111 = arith.cmpi eq, %arg1, %eq3A_110 : i32
    %convert_element_type3A_112 = arith.extui %eq3A_111 : i1 to i32
    %cond3A_113 = arith.constant 0 : i32
    %cond3A_114 = arith.cmpi ne, %convert_element_type3A_112, %cond3A_113 : i32
    scf.if %cond3A_114 {
      "tpu.region"() ({
        %run_scoped3A = tpu.sem_alloc : memref<!tpu.dma_semaphore, #tpu.memory_space<semaphore_mem>>
        %dma_start3A_115 = arith.constant 0 : i32
        %dma_start3A_116 = arith.constant 0 : i32
        %dma_start3A_117 = tpu.memref_slice %arg5[%arg0, %dma_start3A_115, %dma_start3A_116] : memref<2x10000x128xf32, #tpu.memory_space<hbm>> -> memref<1x10000x128xf32, #tpu.memory_space<hbm>>
        %dma_start3A_118 = tpu.memref_squeeze %dma_start3A_117 : memref<1x10000x128xf32, #tpu.memory_space<hbm>> -> memref<10000x128xf32, #tpu.memory_space<hbm>>
        %dma_start3A_119 = arith.constant 9984 : i32
        %dma_start3A_120 = arith.constant 0 : i32
        %dma_start3A_121 = tpu.memref_slice %dma_start3A_118[%dma_start3A_119, %dma_start3A_120] : memref<10000x128xf32, #tpu.memory_space<hbm>> -> memref<16x128xf32, #tpu.memory_space<hbm>>
        %dma_start3A_122 = arith.constant 9984 : i32
        %dma_start3A_123 = arith.constant 0 : i32
        %dma_start3A_124 = tpu.memref_slice %arg8[%dma_start3A_122, %dma_start3A_123] : memref<10000x128xf32, #tpu.memory_space<vmem_shared>> -> memref<16x128xf32, #tpu.memory_space<vmem_shared>>
        tpu.enqueue_dma source(%dma_start3A_124 : memref<16x128xf32, #tpu.memory_space<vmem_shared>>) target(%dma_start3A_121 : memref<16x128xf32, #tpu.memory_space<hbm>>) target_semaphore(%run_scoped3A : memref<!tpu.dma_semaphore, #tpu.memory_space<semaphore_mem>>)
        %dma_wait3A_125 = arith.constant 0 : i32
        %dma_wait3A_126 = arith.constant 0 : i32
        %dma_wait3A_127 = tpu.memref_slice %arg5[%arg0, %dma_wait3A_125, %dma_wait3A_126] : memref<2x10000x128xf32, #tpu.memory_space<hbm>> -> memref<1x10000x128xf32, #tpu.memory_space<hbm>>
        %dma_wait3A_128 = tpu.memref_squeeze %dma_wait3A_127 : memref<1x10000x128xf32, #tpu.memory_space<hbm>> -> memref<10000x128xf32, #tpu.memory_space<hbm>>
        %dma_wait3A_129 = arith.constant 9984 : i32
        %dma_wait3A_130 = arith.constant 0 : i32
        %dma_wait3A_131 = tpu.memref_slice %dma_wait3A_128[%dma_wait3A_129, %dma_wait3A_130] : memref<10000x128xf32, #tpu.memory_space<hbm>> -> memref<16x128xf32, #tpu.memory_space<hbm>>
        %dma_wait3A_132 = arith.constant 9984 : i32
        %dma_wait3A_133 = arith.constant 0 : i32
        %dma_wait3A_134 = tpu.memref_slice %arg8[%dma_wait3A_132, %dma_wait3A_133] : memref<10000x128xf32, #tpu.memory_space<vmem_shared>> -> memref<16x128xf32, #tpu.memory_space<vmem_shared>>
        tpu.wait_dma2 semaphore(%run_scoped3A : memref<!tpu.dma_semaphore, #tpu.memory_space<semaphore_mem>>) src(%dma_wait3A_134 : memref<16x128xf32, #tpu.memory_space<vmem_shared>>) dst(%dma_wait3A_131 : memref<16x128xf32, #tpu.memory_space<hbm>>)
        tpu.yield
      }) : () -> ()
    } else {
    }
    return
  }
}

module attributes {stable_mosaic.version = 14 : i64} {
  func.func @_combine_body(%arg0: i32, %arg1: memref<2x2000x128xf32, #tpu.memory_space<vmem>>, %arg2: memref<2000x128xf32, #tpu.memory_space<vmem>>, %arg3: memref<2000x128xf32, #tpu.memory_space<vmem>>, %arg4: memref<1x1xf32, #tpu.memory_space<smem>>) attributes {dimension_semantics = [#tpu.dimension_semantics<arbitrary>], iteration_bounds = array<i64: 5>, scalar_prefetch = 0 : i64, scratch_operands = 0 : i64, tpu.core_type = #tpu.core_type<tc>, window_params = [{transform_indices = @transform_0, window_bounds = array<i64: 2, 2000, 128>}, {transform_indices = @transform_1, window_bounds = array<i64: 2000, 128>}, {transform_indices = @transform_2, window_bounds = array<i64: 2000, 128>}, {transform_indices = @transform_3, window_bounds = array<i64: 1, 1>}]} {
    %get3A = arith.constant 0 : index
    %get3A_0 = arith.constant 0 : index
    %get3A_1 = arith.constant 0 : index
    %get3A_2 = vector.load %arg1[%get3A, %get3A_0, %get3A_1] : memref<2x2000x128xf32, #tpu.memory_space<vmem>>, vector<1x2000x128xf32>
    %get3A_3 = vector.shape_cast %get3A_2 : vector<1x2000x128xf32> to vector<2000x128xf32>
    %get3A_4 = arith.constant 1 : index
    %get3A_5 = arith.constant 0 : index
    %get3A_6 = arith.constant 0 : index
    %get3A_7 = vector.load %arg1[%get3A_4, %get3A_5, %get3A_6] : memref<2x2000x128xf32, #tpu.memory_space<vmem>>, vector<1x2000x128xf32>
    %get3A_8 = vector.shape_cast %get3A_7 : vector<1x2000x128xf32> to vector<2000x128xf32>
    %add3A = arith.addf %get3A_3, %get3A_8 : vector<2000x128xf32>
    %get3A_9 = arith.constant 0 : index
    %get3A_10 = arith.constant 0 : index
    %get3A_11 = vector.load %arg2[%get3A_9, %get3A_10] : memref<2000x128xf32, #tpu.memory_space<vmem>>, vector<2000x128xf32>
    %sub3A = arith.subf %add3A, %get3A_11 : vector<2000x128xf32>
    %swap3A = arith.constant 0 : index
    %swap3A_12 = arith.constant 0 : index
    %swap3A_13 = vector.load %arg3[%swap3A, %swap3A_12] : memref<2000x128xf32, #tpu.memory_space<vmem>>, vector<2000x128xf32>
    tpu.vector_store %arg3[%swap3A, %swap3A_12], %sub3A {strides = array<i32>} : memref<2000x128xf32, #tpu.memory_space<vmem>>, vector<2000x128xf32>,
    %eq3A = arith.constant 0 : i32
    %eq3A_14 = arith.cmpi eq, %arg0, %eq3A : i32
    %convert_element_type3A = arith.extui %eq3A_14 : i1 to i32
    %cond3A = arith.constant 0 : i32
    %cond3A_15 = arith.cmpi ne, %convert_element_type3A, %cond3A : i32
    scf.if %cond3A_15 {
      %swap3A_29 = arith.constant 0.000000e+00 : f32
      %swap3A_30 = arith.constant 0 : index
      %swap3A_31 = arith.constant 0 : index
      %swap3A_32 = memref.load %arg4[%swap3A_30, %swap3A_31] : memref<1x1xf32, #tpu.memory_space<smem>>
      memref.store %swap3A_29, %arg4[%swap3A_30, %swap3A_31] : memref<1x1xf32, #tpu.memory_space<smem>>
    } else {
    }
    %get3A_16 = arith.constant 0 : index
    %get3A_17 = arith.constant 0 : index
    %get3A_18 = memref.load %arg4[%get3A_16, %get3A_17] : memref<1x1xf32, #tpu.memory_space<smem>>
    %mul3A = arith.mulf %sub3A, %sub3A : vector<2000x128xf32>
    %reduce_sum3A = vector.shape_cast %mul3A : vector<2000x128xf32> to vector<1x2000x128xf32>
    %reduce_sum3A_19 = arith.constant dense<0.000000e+00> : vector<1xf32>
    %reduce_sum3A_20 = vector.multi_reduction <add>, %reduce_sum3A, %reduce_sum3A_19 [1, 2] : vector<1x2000x128xf32> to vector<1xf32>
    %reduce_sum3A_21 = vector.shape_cast %reduce_sum3A_20 : vector<1xf32> to vector<1x1x1xf32>
    %reduce_sum3A_22 = vector.extract %reduce_sum3A_21[0, 0, 0] : f32 from vector<1x1x1xf32>
    %mul3A_23 = arith.constant 5.000000e-01 : f32
    %mul3A_24 = arith.mulf %mul3A_23, %reduce_sum3A_22 : f32
    %add3A_25 = arith.addf %get3A_18, %mul3A_24 : f32
    %swap3A_26 = arith.constant 0 : index
    %swap3A_27 = arith.constant 0 : index
    %swap3A_28 = memref.load %arg4[%swap3A_26, %swap3A_27] : memref<1x1xf32, #tpu.memory_space<smem>>
    memref.store %add3A_25, %arg4[%swap3A_26, %swap3A_27] : memref<1x1xf32, #tpu.memory_space<smem>>
    return
  }
  func.func @transform_0(%arg0: i32) -> (i32, i32, i32) {
    %c0_i32 = arith.constant 0 : i32
    %c0_i32_0 = arith.constant 0 : i32
    %c0_i32_1 = arith.constant 0 : i32
    return %c0_i32, %arg0, %c0_i32_0 : i32, i32, i32
  }
  func.func @transform_1(%arg0: i32) -> (i32, i32) {
    %c0_i32 = arith.constant 0 : i32
    %c0_i32_0 = arith.constant 0 : i32
    return %arg0, %c0_i32 : i32, i32
  }
  func.func @transform_2(%arg0: i32) -> (i32, i32) {
    %c0_i32 = arith.constant 0 : i32
    %c0_i32_0 = arith.constant 0 : i32
    return %arg0, %c0_i32 : i32, i32
  }
  func.func @transform_3(%arg0: i32) -> (i32, i32) {
    %c0_i32 = arith.constant 0 : i32
    %c0_i32_0 = arith.constant 0 : i32
    %c0_i32_1 = arith.constant 0 : i32
    return %c0_i32, %c0_i32_0 : i32, i32
  }
}

</mosaic_0001>

<sc_bundles>
// kernel: kernel.5.cloned.1.call-start
scs
__scs_entry_jumppad:
0x0: {  	(pc) =	sbr.rel $0x88, $3  }
0x1: {  	(tag) =	ssettag $0x0;
	lr =	simm.s32 $0x1  }
0x2: {  	[smem:$0x3F9E] =	sst lr;
	_ =	strace $0xD0000000  }
0x3: {  	_ = 	snop  }
0x4: {  	_ = 	snop  }
0x5: {  	_ = 	snop  }
0x6: {  	_ = 	snop  }
0x7: {  	_ = 	snop  }
__scs_overlays_trampoline_lowered:
0x8: {  	[smem:$0x3FAD] =	sst s0  }
0x9: {  	[smem:$0x3FAE] =	sst s1  }
0xa: {  	[smem:$0x3FAF] =	sst s2  }
0xb: {  	[smem:$0x3FB0] =	sst s3  }
0xc: {  	[smem:$0x3FB1] =	sst s4  }
0xd: {  	[smem:$0x3FB2] =	sst s5  }
0xe: {  	[smem:$0x3FB3] =	sst s6  }
0xf: {  	[smem:$0x3FB4] =	sst s7  }
0x10: {  	[smem:$0x3FB5] =	sst s8  }
0x11: {  	[smem:$0x3FB6] =	sst s9;
	s0 =	simm.s32 @!p0 $0x0  }
0x12: {  	s1 =	sld [smem:$0x3F9C];
	s0 =	simm.s32 @p0 $0x1  }
0x13: {  	[smem:$0x3FB7] =	sst s0;
	s0 =	simm.s32 @!p1 $0x0  }
0x14: {  	s2 =	sld [smem:$0x3F9B];
	s0 =	simm.s32 @p1 $0x1  }
0x15: {  	[smem:$0x3FB8] =	sst s0;
	s0 =	simm.s32 @!p2 $0x0  }
0x16: {  	s3 =	sld [smem:$0x3FDB];
	s0 =	simm.s32 @p2 $0x1  }
0x17: {  	s4 =	simm.s32 $0x1BF5;
	[smem:$0x3FBA] =	sst s0  }
0x18: {  	s0 =	sld [smem:$0x3F9D];
	_ =	swait.ge [sflag:s4], $0x0  }
0x19: {  	s7 =	sld [smem:$0x3F9E]  }
0x1a: {  	s8 =	sadd.s32 $0xFFFFE003, lr  }
0x1b: {  	s9 =	sadd.s32 $0xFFFFFEF7, lr;
	s5 =	simm.s32 $0xFFFFFFFF;
	p2 =	slt.u32 s8, $0xFFFFF086  }
0x1c: {  	p1 =	slt.u32 s9, $0xF7A;
	s5 =	simm.s32 @!p2 $0x0  }
0x1d: {  	s5 =	simm.s32 @p1 $0x1;
	p0 =	seq.s32 s7, s2  }
0x1e: {  	s7 =	smul.u32 @!p0 $0xF7A, s2;
	p2 =	seq.s32 @!p0 s5, $0x0  }
0x1f: {  	s9 =	smul.u32 $0xF7A, s1;
	s8 =	simm.s32 @!p0 $0x1BF5;
	p2 =	por !p2, p0  }
0x20: {  	[sflag:s8] =	ssyncset.s32 @!p0 $0xFFFFF086;
	s6 =	sadd.s32 @!p0 s3, s7;
	s7 =	simm.s32 @!p0 $0x108  }
0x21: {  	s3 =	sadd.s32 s3, s9;
	s6 =	sadd.s32 @!p0 $0x88, s6;
	s7 =	simm.s32 @p2 $0x1082  }
0x22: {  	[simem:s7], [sflag:s8] =	dma.local @!p0 [hbm:s6], $0xF7A  }
0x23: {  	s9 =	sor.u32 $0xD0000000, s2;
	s6 =	simm.s32 $0x108;
	_ =	swait.ge @!p0 [sflag:s8], $0x0  }
0x24: {  	s3 =	sadd.s32 $0x88, s3;
	s6 =	simm.s32 @!p1 $0x1082;
	[sflag:s4] =	ssyncset.s32 $0xFFFFF086  }
0x25: {  	[simem:s6], [sflag:s4] =	dma.local [hbm:s3], $0xF7A  }
0x26: {  	[smem:$0x3F9E] =	sst s1;
	(tag) =	ssettag s2;
	_ =	strace s9  }
0x27: {  	s1 =	sld [smem:$0x3FAE]  }
0x28: {  	s2 =	sld [smem:$0x3FAF]  }
0x29: {  	s4 =	sld [smem:$0x3FB1]  }
0x2a: {  	p0 =	seq.s32 s5, $0x0;
	s5 =	sld [smem:$0x3FB2]  }
0x2b: {  	s6 =	sld [smem:$0x3FB3]  }
0x2c: {  	s7 =	sld [smem:$0x3FB4]  }
0x2d: {  	s3 =	simm.s32 $0x108;
	s8 =	sld [smem:$0x3FB5]  }
0x2e: {  	s3 =	simm.s32 @!p0 $0x1082;
	s9 =	sld [smem:$0x3FB6]  }
0x2f: {  	lr =	sadd.s32 s0, s3;
	s0 =	sld [smem:$0x3FAD]  }
0x30: {  	s3 =	sld [smem:$0x3FB0]  }
0x31: {  	[smem:$0x3FB9] =	sst s10  }
0x32: {  	s10 =	sld [smem:$0x3FB7];
	_ =	sdelay $0x3  }
0x33: {  	p0 =	seq.s32 s10, $0x1;
	s10 =	sld [smem:$0x3FB9];
	_ =	sdelay $0x3  }
0x34: {  	[smem:$0x3FB9] =	sst s10  }
0x35: {  	s10 =	sld [smem:$0x3FB8];
	_ =	sdelay $0x3  }
0x36: {  	p1 =	seq.s32 s10, $0x1;
	s10 =	sld [smem:$0x3FB9];
	_ =	sdelay $0x3  }
0x37: {  	[smem:$0x3FB9] =	sst s10  }
0x38: {  	s10 =	sld [smem:$0x3FBA]  }
0x39: {  	_ = 	snop;
	(pc) =	sbr.ind lr, $3  }
0x3a: {  	_ = 	snop  }
0x3b: {  	_ = 	snop  }
0x3c: {  	p2 =	seq.s32 s10, $0x1;
	s10 =	sld [smem:$0x3FB9]  }
0x3d: {  	_ =	shalt  }
0x3e: {  	_ =	shalt  }
0x3f: {  	_ =	shalt  }
0x40: {  	_ =	shalt  }
0x41: {  	_ =	shalt  }
0x42: {  	_ =	shalt  }
0x43: {  	_ =	shalt  }
0x44: {  	_ =	shalt  }
0x45: {  	_ =	shalt  }
0x46: {  	_ =	shalt  }
0x47: {  	_ =	shalt  }
0x48: {  	_ =	shalt  }
0x49: {  	_ =	shalt  }
0x4a: {  	_ =	shalt  }
0x4b: {  	_ =	shalt  }
0x4c: {  	_ =	shalt  }
0x4d: {  	_ =	shalt  }
0x4e: {  	_ =	shalt  }
0x4f: {  	_ =	shalt  }
0x50: {  	_ =	shalt  }
0x51: {  	_ =	shalt  }
0x52: {  	_ =	shalt  }
0x53: {  	_ =	shalt  }
0x54: {  	_ =	shalt  }
0x55: {  	_ =	shalt  }
0x56: {  	_ =	shalt  }
0x57: {  	_ =	shalt  }
0x58: {  	_ =	shalt  }
0x59: {  	_ =	shalt  }
0x5a: {  	_ =	shalt  }
0x5b: {  	_ =	shalt  }
0x5c: {  	_ =	shalt  }
0x5d: {  	_ =	shalt  }
0x5e: {  	_ =	shalt  }
0x5f: {  	_ =	shalt  }
0x60: {  	_ =	shalt  }
0x61: {  	_ =	shalt  }
0x62: {  	_ =	shalt  }
0x63: {  	_ =	shalt  }
0x64: {  	_ =	shalt  }
0x65: {  	_ =	shalt  }
0x66: {  	_ =	shalt  }
0x67: {  	_ =	shalt  }
0x68: {  	_ =	shalt  }
0x69: {  	_ =	shalt  }
0x6a: {  	_ =	shalt  }
0x6b: {  	_ =	shalt  }
0x6c: {  	_ =	shalt  }
0x6d: {  	_ =	shalt  }
0x6e: {  	_ =	shalt  }
0x6f: {  	_ =	shalt  }
0x70: {  	_ =	shalt  }
0x71: {  	_ =	shalt  }
0x72: {  	_ =	shalt  }
0x73: {  	_ =	shalt  }
0x74: {  	_ =	shalt  }
0x75: {  	_ =	shalt  }
0x76: {  	_ =	shalt  }
0x77: {  	_ =	shalt  }
0x78: {  	_ =	shalt  }
0x79: {  	_ =	shalt  }
0x7a: {  	_ =	shalt  }
0x7b: {  	_ =	shalt  }
0x7c: {  	_ =	shalt  }
0x7d: {  	_ =	shalt  }
0x7e: {  	_ =	shalt  }
0x7f: {  	_ =	shalt  }
0x80: {  	_ =	shalt  }
0x81: {  	_ =	shalt  }
0x82: {  	_ =	shalt  }
0x83: {  	_ =	shalt  }
0x84: {  	_ =	shalt  }
0x85: {  	_ =	shalt  }
0x86: {  	_ =	shalt  }
0x87: {  	_ =	shalt  }
.Lfunc_end0:
.L_simem_size_0:
called_computation_lowered:
.L_overlay_start_0:
0x88: {  	s2 =	sld [smem:$0x3FD9]  }
0x89: {  	s3 =	sld [smem:$0x3FFE];
	_ =	sdelay $0x1  }
0x8a: {  	s1 =	srdreg.scid  }
0x8b: {  	s0 =	sand.u32 $0x1, s1  }
0x8c: {  	s14 =	sshll.u32 s0, $0xA;
	s2 =	sadd.s32 s3, s2  }
0x8d: {  	s2 =	sadd.s32 s2, s14  }
0x8e: {  	[smem:$0x3FC5] =	sst s2  }
0x8f: {  	_ = 	snop  }
0x90: {  	s2 =	sld [smem:$0x3FD0];
	_ =	sdelay $0x2  }
0x91: {  	s4 =	simm.s32 $0xA;
	s5 =	simm.s32 $0x10;
	s15 =	sld [smem:$0x3FC9]  }
0x92: {  	[smem:s5], [sflag:s4] =	dma.local [hbm:s2], $0x1  }
0x93: {  	_ =	swait.eq [sflag:s4], $0x1  }
0x94: {  	[sflag:s4] =	ssyncset.done $0x0  }
0x95: {  	[sflag:s4] =	ssyncadd.s32 $0xFFFFFFFF  }
0x96: {  	s16 =	sld [smem:$0x11];
	(tm) =	ssettm $0x1  }
0x97: {  	s17 =	sld [smem:$0x3FFB];
	_ =	sdelay $0x3  }
0x98: {  	_ =	strace s17  }
0x99: {  	s4 =	sld [smem:$0x3FFC];
	_ =	sdelay $0x3  }
0x9a: {  	_ =	strace s4  }
0x9b: {  	s4 =	sld [smem:$0x3FFD];
	_ =	sdelay $0x3  }
0x9c: {  	_ =	strace s4  }
0x9d: {  	_ =	strace $0x8FFFFFFF  }
0x9e: {  	s18 =	sld [smem:$0x3FDB];
	_ =	sdelay $0x1  }
0x9f: {  	s19 =	simm.s32 $_scs_section_size  }
0xa0: {  	s6 =	simm.s32 $_size__tile_overlayer_lowered;
	s7 =	simm.s32 $_tile_overlayer_lowered  }
0xa1: {  	s22 =	simm.s32 $0x1BFF;
	s21 =	sshll.u32 s7, $0x1;
	s4 =	sadd.s32 s19, s18  }
0xa2: {  	s8 =	simm.s32 $0x0;
	s20 =	sshll.u32 s6, $0x1;
	s6 =	sadd.s32 s21, s4  }
0xa3: {  	[timem:s8], [sflag:s22] =	dma.local [hbm:s6], s20  }
0xa4: {  	_ =	swait.ge [sflag:s22], s20  }
0xa5: {  	s5 =	ssub.s32 $0x0, s20;
	[sflag:s22] =	ssyncset.done $0x0  }
0xa6: {  	[sflag:s22] =	ssyncadd.s32 s5;
	_ =	sdelay $0x1  }
0xa7: {  	s23 =	simm.s32 $0x1B8B  }
0xa8: {  	_ =	swait.ge [sflag:s23], $0x1  }
0xa9: {  	[sflag:s23] =	ssyncset.done $0x0  }
0xaa: {  	s25 =	simm.s32 $0x1B8E;
	s24 =	sld [smem:$0x3FFE];
	[sflag:s23] =	ssyncadd.s32 $0xFFFFFFFF  }
0xab: {  	s26 =	simm.s32 $execute0_lowered;
	[smem:$0x3FD2] =	sst s25  }
0xac: {  	s6 =	sshll.u32 s26, $0x1;
	_ =	strace $0x80000046;
	[dreg:$0x1] =	wrdreg $0xFFFFFFFF  }
0xad: {  	s28 =	simm.s32 $_size_execute0_lowered;
	s4 =	sadd.s32 s4, s6;
	[dreg:$0x0] =	wrdreg $0x0  }
0xae: {  	s6 =	sshll.u32 s28, $0x1;
	[dreg:$0x2] =	wrdreg s4  }
0xaf: {  	[dreg:$0x3] =	wrdreg s6  }
0xb0: {  	[dreg:$0x4] =	wrdreg $0xC0  }
0xb1: {  	_ =	task [dreg:s8], $0x5FFFF  }
0xb2: {  	[dreg:$0x1] =	wrdreg $0xFFFFFFFF  }
0xb3: {  	[dreg:$0x0] =	wrdreg $0x60  }
0xb4: {  	[dreg:$0x2] =	wrdreg s15  }
0xb5: {  	[dreg:$0x3] =	wrdreg s24  }
0xb6: {  	[dreg:$0x4] =	wrdreg s16  }
0xb7: {  	[dreg:$0x5] =	wrdreg $0xC0000  }
0xb8: {  	[dreg:$0x6] =	wrdreg $0x9  }
0xb9: {  	_ =	task.clear_ibuf [dreg:s8], $0x7FFFF;
	_ =	strace $0x90000046  }
0xba: {  	s29 =	simm.s32 $0x9;
	_ =	strace $0x80000048  }
0xbb: {  	_ =	swait.ge [sflag:s29], $0x1  }
0xbc: {  	[sflag:s29] =	ssyncadd.s32 $0xFFFFFFFF  }
0xbd: {  	_ =	strace $0x90000048  }
0xbe: {  	_ =	sfence  }
0xbf: {  	s30 =	sld [smem:$0x0];
	_ =	sdelay $0x2  }
0xc0: {  	s31 =	sshll.u32 s1, $0xD;
	s1 =	sshrl.u32 s1, $0x2  }
0xc1: {  	s3 =	sand.u32 $0x4000, s31;
	s1 =	sadd.s32 s1, s30  }
0xc2: {  	s0 =	sor.u32 s3, s0;
	s1 =	sshll.u32 s1, $0x11  }
0xc3: {  	s0 =	sor.u32 s1, s0  }
0xc4: {  	s0 =	sadd.s32 $0x8F2B, s0  }
0xc5: {  	[sflag:s0] =	ssyncadd.remote.s32 $0x1  }
0xc6: {  	_ =	sfence.sel $0xFFFF  }
0xc7: {  	[dreg:$0x0] =	wrdreg $0xFFFFFFFF;
	(pc) =	sbr.abs _section_cstart, $3  }
0xc8: {  	[dreg:$0x1] =	wrdreg $0xFFFFFFFF  }
0xc9: {  	_ =	task.clear_ibuf [dreg:s8], $0x2FFFF;
	_ =	strace $0x9FFFFFFF  }
0xca: {  	(tm) =	ssettm $0x7FFFFFFF  }
0xcb: {  	_ =	shalt  }
tec
execute0_lowered:
.L_overlay_start_1:
0x0: {  	(tag) =	ssettag $0x1  }
0x1: {  	s0 =	rddreg [dreg:$0x0]  }
0x2: {  	s3 =	rddreg [dreg:$0x1]  }
0x3: {  	s4 =	rddreg [dreg:$0x2]  }
0x4: {  	s1 =	rddreg [dreg:$0x3]  }
0x5: {  	s5 =	srdreg.scid;
	s6 =	stileid.u32  }
0x6: {  	s2 =	simm.s32 $0x0;
	s14 =	simm.s32 $0x5;
	s18 =	simm.s32 $0x2000  }
0x7: {  	s29 =	simm.s32 $0x0;
	s5 =	sand.u32 $0x1, s5;
	s11 =	smul.u32 $0x2700, s6  }
0x8: {  	s7 =	sshll.u32 s6, $0x1;
	[smem:$0x7FF] =	sst s2;
	s9 =	smul.u32 $0x4E000, s6  }
0x9: {  	s25 =	smul.u32 $0x4E200, s6;
	p0 =	sne.s32 s6, $0x0;
	s31 =	sshll.u32 s6, $0x6  }
0xa: {  	s7 =	sor.u32 s5, s7;
	_ =	strace $0x80000047;
	s20 =	ssub.s32 $0x2, s5  }
0xb: {  	s5 =	smul.u32 $0x27100, s5;
	s15 =	sor.u32 $0x1C05, s31;
	s8 =	sshll.u32 s7, $0xB  }
0xc: {  	[dreg:$0x6] =	wrdreg s11;
	s19 =	sadd.s32 s11, s3;
	s13 =	smul.u32 $0x138800, s7  }
0xd: {  	s12 =	sshrl.u32 s20, $0x1;
	s9 =	sshrl.u32 s9, $0x2;
	s7 =	smul.u32 $0x27100, s7  }
0xe: {  	s10 =	sadd.s32 s8, s3;
	s12 =	ssub.s32 s20, s12;
	s8 =	sadd.s32 $0x11000, s19  }
0xf: {  	s16 =	sadd.s32 s9, s1;
	s3 =	sadd.s32 $0x38000, s3;
	[dreg:$0x8] =	wrdreg s8  }
0x10: {  	s28 =	sadd.s32 s4, s5;
	s19 =	simm.s32 $0x4800;
	[dreg:$0x9] =	wrdreg s3  }
0x11: {  	s20 =	simm.s32 $0x7000;
	s21 =	sadd.s32 $0x1000, s10;
	[dreg:$0xe] =	wrdreg s28  }
0x12: {  	s22 =	sshrl.u32 s13, $0x3;
	s7 =	sadd.s32 s0, s7;
	[dreg:$0x7] =	wrdreg s21  }
0x13: {  	s13 =	sadd.s32 $0x138000, s1;
	s26 =	sadd.s32 $0x1400, s10;
	[dreg:$0xa] =	wrdreg s7  }
0x14: {  	s30 =	smax.u32 s12, $0x1;
	s16 =	sshrl.u32 s16, $0x3;
	[dreg:$0x5] =	wrdreg s26  }
0x15: {  	s23 =	sadd.s32 s0, s22;
	s0 =	sadd.s32 s25, s0;
	[dreg:$0xf] =	wrdreg s30  }
0x16: {  	s17 =	sshrl.u32 @!p0 s13, $0x3;
	s21 =	simm.s32 $0x9800;
	s22 =	simm.s32 $0x1  }
0x17: {  	s25 =	simm.s32 $0x3;
	s26 =	simm.s32 $0x4;
	s24 =	sadd.s32 $0x500, s23  }
0x18: {  	s8 =	sadd.s32 $0xA00, s23;
	s3 =	sadd.s32 $0xF00, s23;
	[dreg:$0xb] =	wrdreg s24  }
0x19: {  	s0 =	sadd.s32 s5, s0;
	s23 =	simm.s32 $0x50;
	[dreg:$0xc] =	wrdreg s8  }
0x1a: {  	[dreg:$0xd] =	wrdreg s3;
	s3 =	sadd.s32 $0x2300, s0;
	s24 =	simm.s32 $0x2  }
.LBB2_1:
0x1b: {  	s0 =	rddreg [dreg:$0x7]  }
0x1c: {  	[tilespmem:s2], [sflag:$0x5] =	stream.linear.gather [hbm4b:s0+s2], $0x2000, $0x38;
	[tilespmem:$0x1F880] =	vst v63  }
0x1d: {  	_ =	swait.ge [sflag:s14], $0x2000  }
0x1e: {  	[sflag:s14] =	ssyncset.done $0x0  }
0x1f: {  	s6 =	rddreg [dreg:$0x8];
	[sflag:s14] =	ssyncadd.s32 $0xFFFFE000  }
0x20: {  	[spmem:s16], [sflag:s15] =	dma.local [hbm:s6], $0x2700  }
0x21: {  	_ =	swait.ge [sflag:s14], $0x2700  }
0x22: {  	[sflag:s14] =	ssyncset.done $0x0  }
0x23: {  	s0 =	rddreg [dreg:$0x9];
	[sflag:s14] =	ssyncadd.s32 $0xFFFFD900  }
0x24: {  	[spmem:s17], [sflag:s15] =	dma.local @!p0 [hbm:s0], $0x100  }
0x25: {  	s0 =	simm.s32 @!p0 $0x5  }
0x26: {  	_ =	swait.ge @!p0 [sflag:s0], $0x100  }
0x27: {  	[sflag:s0] =	ssyncset.done @!p0 $0x0  }
0x28: {  	[sflag:s0] =	ssyncadd.s32 @!p0 $0xFFFFFF00  }
0x29: {  	[bflag:$0x0] =	sbarrier.arrive $0xFFFF  }
0x2a: {  	s7 =	rddreg [dreg:$0xa]  }
0x2b: {  	[tilespmem:s18], [sflag:$0x1] =	stream.linear.gather [hbm4b:s7+s2], $0x2800, $0x38;
	[tilespmem:$0x1F880] =	vst v63  }
0x2c: {  	s8 =	rddreg [dreg:$0xb]  }
0x2d: {  	[tilespmem:s19], [sflag:$0x2] =	stream.linear.gather [hbm4b:s8+s2], $0x2800, $0x38;
	[tilespmem:$0x1F880] =	vst v63  }
0x2e: {  	s9 =	rddreg [dreg:$0xc]  }
0x2f: {  	[tilespmem:s20], [sflag:$0x3] =	stream.linear.gather [hbm4b:s9+s2], $0x2800, $0x38;
	[tilespmem:$0x1F880] =	vst v63  }
0x30: {  	p1 =	por $0x1, $0x1;
	s10 =	rddreg [dreg:$0xd]  }
0x31: {  	[tilespmem:s21], [sflag:$0x4] =	stream.linear.gather [hbm4b:s10+s2], $0x2800, $0x38;
	[tilespmem:$0x1F880] =	vst v63  }
0x32: {  	s4 =	simm.s32 @!p1 $0x0;
	s5 =	simm.s32 @!p1 $0x5;
	s0 =	rddreg [dreg:$0x5]  }
0x33: {  	[tilespmem:s4], [sflag:$0x5] =	stream.linear.gather @!p1 [hbm4b:s0+s4], $0x2000, $0x38;
	[tilespmem:$0x1F880] =	vst v63  }
0x34: {  	_ =	swait.ge @!p1 [sflag:s5], $0x2000  }
0x35: {  	[sflag:s5] =	ssyncset.done @!p1 $0x0  }
0x36: {  	[sflag:s5] =	ssyncadd.s32 @!p1 $0xFFFFE000  }
0x37: {  	s6 =	simm.s32 $0x1;
	s4 =	simm.s32 $0xFFFFE000;
	_ =	swait.ge [sflag:s22], $0x2800  }
0x38: {  	p1 =	por $0x0, $0x0;
	s5 =	simm.s32 $0x0;
	[sflag:s22] =	ssyncset.done $0x0  }
0x39: {  	s0 =	simm.s32 $0x7FFFC1;
	s5 =	smov.u32 @p1 s4;
	[sflag:s22] =	ssyncadd.s32 $0xFFFFD800  }
0x3a: {  	[spmem:s1] =	stream.indirect.scatter.add.f32 [tilespmem:s18], [sflag:$0x1], $0x80, s5, s23, $0xb8;
	[tilespmem:$0x1F880] =	vst v63  }
0x3b: {  	s6 =	smov.u32 @p1 s0;
	_ =	swait.ge [sflag:s24], $0x2800  }
0x3c: {  	s0 =	simm.s32 $0x2;
	s11 =	sshll.u32 s6, $0x9;
	[sflag:s24] =	ssyncset.done $0x0  }
0x3d: {  	s4 =	sshra.s32 s11, $0x2;
	s5 =	simm.s32 $0x7FFFC2;
	[sflag:s24] =	ssyncadd.s32 $0xFFFFD800  }
0x3e: {  	[spmem:s1] =	stream.indirect.scatter.add.f32 [tilespmem:s19], [sflag:$0x2], $0x80, s4, s23, $0xb8;
	[tilespmem:$0x1F880] =	vst v63  }
0x3f: {  	s0 =	smov.u32 @p1 s5;
	_ =	swait.ge [sflag:s25], $0x2800  }
0x40: {  	s5 =	simm.s32 $0x7FFFC3;
	s0 =	sshll.u32 s0, $0x9;
	[sflag:s25] =	ssyncset.done $0x0  }
0x41: {  	s0 =	sshra.s32 s0, $0x2;
	s4 =	simm.s32 $0x3;
	[sflag:s25] =	ssyncadd.s32 $0xFFFFD800  }
0x42: {  	[spmem:s1] =	stream.indirect.scatter.add.f32 [tilespmem:s20], [sflag:$0x3], $0x80, s0, s23, $0xb8;
	[tilespmem:$0x1F880] =	vst v63  }
0x43: {  	s4 =	smov.u32 @p1 s5;
	_ =	swait.ge [sflag:s26], $0x2800  }
0x44: {  	s12 =	sshll.u32 s4, $0x9;
	[sflag:s26] =	ssyncset.done $0x0  }
0x45: {  	s0 =	sshra.s32 s12, $0x2;
	[sflag:s26] =	ssyncadd.s32 $0xFFFFD800  }
0x46: {  	[spmem:s1] =	stream.indirect.scatter.add.f32 [tilespmem:s21], [sflag:$0x4], $0x80, s0, s23, $0xb8;
	[tilespmem:$0x1F880] =	vst v63  }
0x47: {  	_ =	swait.ge [sflag:s22], $0x2800  }
0x48: {  	[sflag:s22] =	ssyncset.done $0x0  }
0x49: {  	s13 =	sadd.s32 $0xFFFFF100, s3;
	s30 =	simm.s32 $0x7FFFC5;
	[sflag:s22] =	ssyncadd.s32 $0xFFFFD800  }
0x4a: {  	[tilespmem:s18], [sflag:$0x1] =	stream.linear.gather [hbm4b:s13+s2], $0x2800, $0x38;
	[tilespmem:$0x1F880] =	vst v63  }
0x4b: {  	s28 =	simm.s32 $0x1;
	p1 =	por $0x0, $0x0;
	_ =	swait.ge [sflag:s24], $0x2800  }
0x4c: {  	p2 =	por $0x0, $0x0;
	s5 =	simm.s32 @!p1 $0x4800;
	[sflag:s24] =	ssyncset.done $0x0  }
0x4d: {  	s6 =	simm.s32 @!p1 $0x0;
	s0 =	sadd.s32 @!p1 $0xFFFFF600, s3;
	[sflag:s24] =	ssyncadd.s32 $0xFFFFD800  }
0x4e: {  	[tilespmem:s5], [sflag:$0x2] =	stream.linear.gather @!p1 [hbm4b:s0+s6], $0x2800, $0x38;
	[tilespmem:$0x1F880] =	vst v63  }
0x4f: {  	s31 =	sadd.s32 $0x1400, s3;
	p1 =	por $0x0, $0x0;
	_ =	swait.ge [sflag:s25], $0x2800  }
0x50: {  	s11 =	simm.s32 $0x200;
	s5 =	sadd.s32 @!p1 $0xFFFFFB00, s3;
	[sflag:s25] =	ssyncset.done $0x0  }
0x51: {  	s6 =	simm.s32 @!p1 $0x7000;
	s7 =	simm.s32 @!p1 $0x0;
	[sflag:s25] =	ssyncadd.s32 $0xFFFFD800  }
0x52: {  	[tilespmem:s6], [sflag:$0x3] =	stream.linear.gather @!p1 [hbm4b:s5+s7], $0x2800, $0x38;
	[tilespmem:$0x1F880] =	vst v63  }
0x53: {  	s4 =	simm.s32 $0x7FFFC9;
	s13 =	smov.u32 s3;
	_ =	swait.ge [sflag:s26], $0x2800  }
0x54: {  	s7 =	simm.s32 @!p2 $0x9800;
	s6 =	rddreg [dreg:$0x5];
	[sflag:s26] =	ssyncset.done $0x0  }
.LBB2_2:
0x55: {  	p3 =	sne.s32 s30, $0x800001;
	[sflag:s26] =	ssyncadd.s32 $0xFFFFD800;
	s8 =	simm.s32 @!p2 $0x0  }
0x56: {  	[tilespmem:s7], [sflag:$0x4] =	stream.linear.gather @!p2 [hbm4b:s13+s8], $0x2800, $0x38;
	[tilespmem:$0x1F880] =	vst v63  }
0x57: {  	s7 =	simm.s32 @!p3 $0x0;
	s8 =	simm.s32 @!p3 $0x5  }
0x58: {  	[tilespmem:s7], [sflag:$0x5] =	stream.linear.gather @!p3 [hbm4b:s6+s7], $0x2000, $0x38;
	[tilespmem:$0x1F880] =	vst v63  }
0x59: {  	_ =	swait.ge @!p3 [sflag:s8], $0x2000  }
0x5a: {  	[sflag:s8] =	ssyncset.done @!p3 $0x0  }
0x5b: {  	[sflag:s8] =	ssyncadd.s32 @!p3 $0xFFFFE000  }
0x5c: {  	s5 =	smov.u32 s30;
	s12 =	sadd.s32 $0xFFFFE000, s11;
	_ =	swait.ge [sflag:s22], $0x2800  }
0x5d: {  	s0 =	smov.u32 s11;
	p2 =	sgt.u32 s28, $0xF;
	[sflag:s22] =	ssyncset.done $0x0  }
0x5e: {  	s0 =	smov.u32 @p2 s12;
	s7 =	sadd.s32 $0xFF800040, s5;
	[sflag:s22] =	ssyncadd.s32 $0xFFFFD800  }
0x5f: {  	[spmem:s1] =	stream.indirect.scatter.add.f32 [tilespmem:s18], [sflag:$0x1], $0x80, s0, s23, $0xb8;
	[tilespmem:$0x1F880] =	vst v63  }
0x60: {  	s7 =	smov.u32 @p2 s5;
	_ =	swait.ge [sflag:s24], $0x2800  }
0x61: {  	s6 =	sadd.s32 $0xFF800041, s5;
	s12 =	sshll.u32 s7, $0x9;
	[sflag:s24] =	ssyncset.done $0x0  }
0x62: {  	s8 =	sadd.s32 $0x1, s5;
	s0 =	sshra.s32 s12, $0x2;
	[sflag:s24] =	ssyncadd.s32 $0xFFFFD800  }
0x63: {  	[spmem:s1] =	stream.indirect.scatter.add.f32 [tilespmem:s19], [sflag:$0x2], $0x80, s0, s23, $0xb8;
	[tilespmem:$0x1F880] =	vst v63  }
0x64: {  	s6 =	smov.u32 @p2 s8;
	_ =	swait.ge [sflag:s25], $0x2800  }
0x65: {  	s9 =	sadd.s32 $0xFF800042, s5;
	s6 =	sshll.u32 s6, $0x9;
	[sflag:s25] =	ssyncset.done $0x0  }
0x66: {  	s10 =	sadd.s32 $0x2, s5;
	s7 =	sshra.s32 s6, $0x2;
	[sflag:s25] =	ssyncadd.s32 $0xFFFFD800  }
0x67: {  	[spmem:s1] =	stream.indirect.scatter.add.f32 [tilespmem:s20], [sflag:$0x3], $0x80, s7, s23, $0xb8;
	[tilespmem:$0x1F880] =	vst v63  }
0x68: {  	s9 =	smov.u32 @p2 s10;
	_ =	swait.ge [sflag:s26], $0x2800  }
0x69: {  	s10 =	sshll.u32 s9, $0x9;
	[sflag:s26] =	ssyncset.done $0x0  }
0x6a: {  	s30 =	smov.u32 s4;
	s8 =	sshra.s32 s10, $0x2;
	[sflag:s26] =	ssyncadd.s32 $0xFFFFD800  }
0x6b: {  	[spmem:s1] =	stream.indirect.scatter.add.f32 [tilespmem:s21], [sflag:$0x4], $0x80, s8, s23, $0xb8;
	[tilespmem:$0x1F880] =	vst v63  }
0x6c: {  	s4 =	sadd.s32 $0x4, s4;
	s11 =	sadd.s32 $0x200, s11;
	_ =	swait.ge [sflag:s22], $0x2800  }
0x6d: {  	p1 =	sne.s32 s4, $0x80003D;
	s13 =	smov.u32 s31;
	[sflag:s22] =	ssyncset.done $0x0  }
0x6e: {  	s9 =	sadd.s32 $0xFFFFF100, s31;
	s10 =	sadd.s32 $0xFF800044, s5;
	[sflag:s22] =	ssyncadd.s32 $0xFFFFD800  }
0x6f: {  	[tilespmem:s18], [sflag:$0x1] =	stream.linear.gather [hbm4b:s9+s2], $0x2800, $0x38;
	[tilespmem:$0x1F880] =	vst v63  }
0x70: {  	s28 =	sadd.s32 $0x1, s28;
	p2 =	sgt.u32 s10, $0x7C;
	_ =	swait.ge [sflag:s24], $0x2800  }
0x71: {  	s6 =	simm.s32 @!p2 $0x4800;
	s12 =	sadd.s32 $0xFF800045, s5;
	[sflag:s24] =	ssyncset.done $0x0  }
0x72: {  	s0 =	sadd.s32 @!p2 $0xFFFFF600, s31;
	s7 =	simm.s32 @!p2 $0x0;
	[sflag:s24] =	ssyncadd.s32 $0xFFFFD800  }
0x73: {  	[tilespmem:s6], [sflag:$0x2] =	stream.linear.gather @!p2 [hbm4b:s0+s7], $0x2800, $0x38;
	[tilespmem:$0x1F880] =	vst v63  }
0x74: {  	s5 =	sadd.s32 $0xFF800046, s5;
	p2 =	sgt.u32 s12, $0x7C;
	_ =	swait.ge [sflag:s25], $0x2800  }
.Ltmp0:
0x75: {  	s0 =	sadd.s32 @!p2 $0xFFFFFB00, s31;
	[sflag:s25] =	ssyncset.done $0x0;
	(pc) =	sbr.rel @p1 .LBB2_2-.Ltmp0, $4  }
0x76: {  	s6 =	simm.s32 @!p2 $0x7000;
	s7 =	simm.s32 @!p2 $0x0;
	[sflag:s25] =	ssyncadd.s32 $0xFFFFD800  }
0x77: {  	[tilespmem:s6], [sflag:$0x3] =	stream.linear.gather @!p2 [hbm4b:s0+s7], $0x2800, $0x38;
	[tilespmem:$0x1F880] =	vst v63  }
0x78: {  	s31 =	sadd.s32 $0x1400, s31;
	p2 =	sgt.u32 s5, $0x7C;
	_ =	swait.ge [sflag:s26], $0x2800  }
0x79: {  	s7 =	simm.s32 @!p2 $0x9800;
	s6 =	rddreg [dreg:$0x5];
	[sflag:s26] =	ssyncset.done $0x0  }
0x7a: {  	[sflag:s26] =	ssyncadd.s32 $0xFFFFD800;
	s0 =	simm.s32 @!p2 $0x0;
	p1 =	sne.s32 s30, $0x800001  }
0x7b: {  	[tilespmem:s7], [sflag:$0x4] =	stream.linear.gather @!p2 [hbm4b:s13+s0], $0x2800, $0x38;
	[tilespmem:$0x1F880] =	vst v63  }
0x7c: {  	s0 =	simm.s32 @!p1 $0x0  }
0x7d: {  	[tilespmem:s0], [sflag:$0x5] =	stream.linear.gather @!p1 [hbm4b:s6+s0], $0x2000, $0x38;
	[tilespmem:$0x1F880] =	vst v63  }
0x7e: {  	s0 =	simm.s32 @!p1 $0x5  }
0x7f: {  	_ =	swait.ge @!p1 [sflag:s0], $0x2000  }
0x80: {  	[sflag:s0] =	ssyncset.done @!p1 $0x0  }
0x81: {  	[sflag:s0] =	ssyncadd.s32 @!p1 $0xFFFFE000  }
0x82: {  	_ =	swait.ge [sflag:s22], $0x2800  }
0x83: {  	p1 =	sgt.u32 s28, $0xF;
	s0 =	sadd.s32 $0xFFFFE000, s11;
	[sflag:s22] =	ssyncset.done $0x0  }
0x84: {  	s4 =	sadd.s32 $0xFF800040, s30;
	s11 =	smov.u32 @p1 s0;
	[sflag:s22] =	ssyncadd.s32 $0xFFFFD800  }
0x85: {  	[spmem:s1] =	stream.indirect.scatter.add.f32 [tilespmem:s18], [sflag:$0x1], $0x80, s11, s23, $0xb8;
	[tilespmem:$0x1F880] =	vst v63  }
0x86: {  	s4 =	smov.u32 @p1 s30;
	_ =	swait.ge [sflag:s24], $0x2800  }
0x87: {  	s5 =	sadd.s32 $0x1, s30;
	s4 =	sshll.u32 s4, $0x9;
	[sflag:s24] =	ssyncset.done $0x0  }
0x88: {  	s0 =	sadd.s32 $0xFF800041, s30;
	s4 =	sshra.s32 s4, $0x2;
	[sflag:s24] =	ssyncadd.s32 $0xFFFFD800  }
0x89: {  	[spmem:s1] =	stream.indirect.scatter.add.f32 [tilespmem:s19], [sflag:$0x2], $0x80, s4, s23, $0xb8;
	[tilespmem:$0x1F880] =	vst v63  }
0x8a: {  	s0 =	smov.u32 @p1 s5;
	_ =	swait.ge [sflag:s25], $0x2800  }
0x8b: {  	s5 =	sadd.s32 $0x2, s30;
	s0 =	sshll.u32 s0, $0x9;
	[sflag:s25] =	ssyncset.done $0x0  }
0x8c: {  	s0 =	sshra.s32 s0, $0x2;
	s4 =	sadd.s32 $0xFF800042, s30;
	[sflag:s25] =	ssyncadd.s32 $0xFFFFD800  }
0x8d: {  	[spmem:s1] =	stream.indirect.scatter.add.f32 [tilespmem:s20], [sflag:$0x3], $0x80, s0, s23, $0xb8;
	[tilespmem:$0x1F880] =	vst v63  }
0x8e: {  	s4 =	smov.u32 @p1 s5;
	_ =	swait.ge [sflag:s26], $0x2800  }
0x8f: {  	s9 =	sshll.u32 s4, $0x9;
	[sflag:s26] =	ssyncset.done $0x0  }
0x90: {  	s0 =	sshra.s32 s9, $0x2;
	[sflag:s26] =	ssyncadd.s32 $0xFFFFD800  }
0x91: {  	[spmem:s1] =	stream.indirect.scatter.add.f32 [tilespmem:s21], [sflag:$0x4], $0x80, s0, s23, $0xb8;
	[tilespmem:$0x1F880] =	vst v63  }
0x92: {  	_ =	swait.ge [sflag:s22], $0x2800  }
0x93: {  	[sflag:s22] =	ssyncset.done $0x0  }
0x94: {  	s10 =	sadd.s32 $0xFFFFF100, s31;
	s11 =	sadd.s32 $0xFF800044, s30;
	[sflag:s22] =	ssyncadd.s32 $0xFFFFD800  }
0x95: {  	[tilespmem:s18], [sflag:$0x1] =	stream.linear.gather [hbm4b:s10+s2], $0x2800, $0x38;
	[tilespmem:$0x1F880] =	vst v63  }
0x96: {  	p1 =	sgt.u32 s11, $0x7C;
	_ =	swait.ge [sflag:s24], $0x2800  }
0x97: {  	s12 =	sadd.s32 $0xFF800045, s30;
	s4 =	simm.s32 @!p1 $0x4800;
	[sflag:s24] =	ssyncset.done $0x0  }
0x98: {  	s5 =	simm.s32 @!p1 $0x0;
	s0 =	sadd.s32 @!p1 $0xFFFFF600, s31;
	[sflag:s24] =	ssyncadd.s32 $0xFFFFD800  }
0x99: {  	[tilespmem:s4], [sflag:$0x2] =	stream.linear.gather @!p1 [hbm4b:s0+s5], $0x2800, $0x38;
	[tilespmem:$0x1F880] =	vst v63  }
0x9a: {  	p1 =	sgt.u32 s12, $0x7C;
	_ =	swait.ge [sflag:s25], $0x2800  }
0x9b: {  	s0 =	sadd.s32 @!p1 $0xFFFFFB00, s31;
	[sflag:s25] =	ssyncset.done $0x0  }
0x9c: {  	s4 =	simm.s32 @!p1 $0x7000;
	s5 =	simm.s32 @!p1 $0x0;
	[sflag:s25] =	ssyncadd.s32 $0xFFFFD800  }
0x9d: {  	[tilespmem:s4], [sflag:$0x3] =	stream.linear.gather @!p1 [hbm4b:s0+s5], $0x2800, $0x38;
	[tilespmem:$0x1F880] =	vst v63  }
0x9e: {  	s13 =	sadd.s32 $0xFF800046, s30;
	_ =	swait.ge [sflag:s26], $0x2800  }
0x9f: {  	p1 =	sgt.u32 s13, $0x7C;
	[sflag:s26] =	ssyncset.done $0x0  }
0xa0: {  	s0 =	simm.s32 @!p1 $0x9800;
	s4 =	simm.s32 @!p1 $0x0;
	[sflag:s26] =	ssyncadd.s32 $0xFFFFD800  }
0xa1: {  	[tilespmem:s0], [sflag:$0x4] =	stream.linear.gather @!p1 [hbm4b:s31+s4], $0x2800, $0x38;
	[tilespmem:$0x1F880] =	vst v63  }
0xa2: {  	_ =	swait.ge [sflag:s22], $0x2800  }
0xa3: {  	[sflag:s22] =	ssyncset.done $0x0  }
0xa4: {  	s28 =	simm.s32 $0x1E00;
	[sflag:s22] =	ssyncadd.s32 $0xFFFFD800  }
0xa5: {  	[spmem:s1] =	stream.indirect.scatter.add.f32 [tilespmem:s18], [sflag:$0x1], $0x80, s28, s23, $0xb8;
	[tilespmem:$0x1F880] =	vst v63  }
0xa6: {  	_ =	swait.ge [sflag:s22], $0x2800  }
0xa7: {  	[sflag:s22] =	ssyncset.done $0x0  }
0xa8: {  	[sflag:s22] =	ssyncadd.s32 $0xFFFFD800  }
0xa9: {  	[bflag:$0x0] =	sbarrier.arrive $0xFFFF  }
0xaa: {  	s30 =	rddreg [dreg:$0x6]  }
0xab: {  	s4 =	rddreg [dreg:$0xe]  }
0xac: {  	s0 =	sadd.s32 s30, s4  }
0xad: {  	[hbm:s0], [sflag:s15] =	dma.local [spmem:s16], $0x2700  }
0xae: {  	_ =	swait.ge [sflag:s14], $0x2700  }
0xaf: {  	[sflag:s14] =	ssyncset.done $0x0  }
0xb0: {  	s0 =	sadd.s32 @!p0 $0x27000, s4;
	[sflag:s14] =	ssyncadd.s32 $0xFFFFD900  }
0xb1: {  	[hbm:s0], [sflag:s15] =	dma.local @!p0 [spmem:s17], $0x100  }
0xb2: {  	s0 =	simm.s32 @!p0 $0x5  }
0xb3: {  	_ =	swait.ge @!p0 [sflag:s0], $0x100  }
0xb4: {  	s29 =	sadd.s32 $0x1, s29;
	s31 =	rddreg [dreg:$0xf]  }
0xb5: {  	p1 =	sne.s32 s29, s31  }
.Ltmp1:
0xb6: {  	_ = 	snop;
	(pc) =	sbr.rel @p1 .LBB2_1-.Ltmp1, $3  }
0xb7: {  	_ =	sdelay $0x1  }
0xb8: {  	[sflag:s0] =	ssyncset.done @!p0 $0x0  }
0xb9: {  	[sflag:s0] =	ssyncadd.s32 @!p0 $0xFFFFFF00  }
0xba: {  	_ =	sfence.sel $0x180000  }
0xbb: {  	[bflag:$0x0] =	sbarrier.arrive $0xFFFF  }
0xbc: {  	_ =	strace $0x90000047  }
0xbd: {  	[bflag:$0x2] =	sbarrier.arrive $0xFFFF  }
0xbe: {  	s0 =	rddreg [dreg:$0x4]  }
0xbf: {  	s0 =	sadd.s32 @!p0 $0x100000, s0  }
0xc0: {  	[sflag:s0] =	ssyncadd.tile.s32 @!p0 $0x1;
	_ =	shalt  }
.Lfunc_end2:
_tile_overlayer_lowered:
.L_overlay_start_2:
0xc1: {  	(tag) =	ssettag $0x2  }
0xc2: {  	s0 =	rddreg [dreg:$0x0];
	s2 =	stileid.u32  }
0xc3: {  	s1 =	rddreg [dreg:$0x1];
	p0 =	sne.s32 s2, $0x0  }
0xc4: {  	s3 =	rddreg [dreg:$0x2];
	[bflag:$0x3] =	sbarrier.arrive $0xFFFF;
	s2 =	simm.s32 @!p0 $0x1C05  }
0xc5: {  	[timem:s3], [sflag:s2] =	dma.local @!p0 [hbm:s0], s1  }
0xc6: {  	s0 =	simm.s32 @!p0 $0x5  }
0xc7: {  	_ =	swait.ge @!p0 [sflag:s0], s1  }
0xc8: {  	s1 =	ssub.s32 @!p0 $0x0, s1;
	[sflag:s0] =	ssyncset.done @!p0 $0x0  }
0xc9: {  	[sflag:s0] =	ssyncadd.s32 @!p0 s1  }
0xca: {  	[bflag:$0x3] =	sbarrier.arrive $0xFFFF  }
0xcb: {  	_ =	shalt  }

// kernel: kernel.8.cloned.1.call-start
scs
__scs_entry_jumppad:
0x0: {  	(pc) =	sbr.rel $0x88, $3  }
0x1: {  	(tag) =	ssettag $0x0;
	lr =	simm.s32 $0x1  }
0x2: {  	[smem:$0x3F9E] =	sst lr;
	_ =	strace $0xD0000000  }
0x3: {  	_ = 	snop  }
0x4: {  	_ = 	snop  }
0x5: {  	_ = 	snop  }
0x6: {  	_ = 	snop  }
0x7: {  	_ = 	snop  }
__scs_overlays_trampoline_lowered:
0x8: {  	[smem:$0x3FAD] =	sst s0  }
0x9: {  	[smem:$0x3FAE] =	sst s1  }
0xa: {  	[smem:$0x3FAF] =	sst s2  }
0xb: {  	[smem:$0x3FB0] =	sst s3  }
0xc: {  	[smem:$0x3FB1] =	sst s4  }
0xd: {  	[smem:$0x3FB2] =	sst s5  }
0xe: {  	[smem:$0x3FB3] =	sst s6  }
0xf: {  	[smem:$0x3FB4] =	sst s7  }
0x10: {  	[smem:$0x3FB5] =	sst s8  }
0x11: {  	[smem:$0x3FB6] =	sst s9;
	s0 =	simm.s32 @!p0 $0x0  }
0x12: {  	s1 =	sld [smem:$0x3F9C];
	s0 =	simm.s32 @p0 $0x1  }
0x13: {  	[smem:$0x3FB7] =	sst s0;
	s0 =	simm.s32 @!p1 $0x0  }
0x14: {  	s2 =	sld [smem:$0x3F9B];
	s0 =	simm.s32 @p1 $0x1  }
0x15: {  	[smem:$0x3FB8] =	sst s0;
	s0 =	simm.s32 @!p2 $0x0  }
0x16: {  	s3 =	sld [smem:$0x3FDB];
	s0 =	simm.s32 @p2 $0x1  }
0x17: {  	s4 =	simm.s32 $0x1BF5;
	[smem:$0x3FBA] =	sst s0  }
0x18: {  	s0 =	sld [smem:$0x3F9D];
	_ =	swait.ge [sflag:s4], $0x0  }
0x19: {  	s7 =	sld [smem:$0x3F9E]  }
0x1a: {  	s8 =	sadd.s32 $0xFFFFE003, lr  }
0x1b: {  	s9 =	sadd.s32 $0xFFFFFEF7, lr;
	s5 =	simm.s32 $0xFFFFFFFF;
	p2 =	slt.u32 s8, $0xFFFFF086  }
0x1c: {  	p1 =	slt.u32 s9, $0xF7A;
	s5 =	simm.s32 @!p2 $0x0  }
0x1d: {  	s5 =	simm.s32 @p1 $0x1;
	p0 =	seq.s32 s7, s2  }
0x1e: {  	s7 =	smul.u32 @!p0 $0xF7A, s2;
	p2 =	seq.s32 @!p0 s5, $0x0  }
0x1f: {  	s9 =	smul.u32 $0xF7A, s1;
	s8 =	simm.s32 @!p0 $0x1BF5;
	p2 =	por !p2, p0  }
0x20: {  	[sflag:s8] =	ssyncset.s32 @!p0 $0xFFFFF086;
	s6 =	sadd.s32 @!p0 s3, s7;
	s7 =	simm.s32 @!p0 $0x108  }
0x21: {  	s3 =	sadd.s32 s3, s9;
	s6 =	sadd.s32 @!p0 $0x88, s6;
	s7 =	simm.s32 @p2 $0x1082  }
0x22: {  	[simem:s7], [sflag:s8] =	dma.local @!p0 [hbm:s6], $0xF7A  }
0x23: {  	s9 =	sor.u32 $0xD0000000, s2;
	s6 =	simm.s32 $0x108;
	_ =	swait.ge @!p0 [sflag:s8], $0x0  }
0x24: {  	s3 =	sadd.s32 $0x88, s3;
	s6 =	simm.s32 @!p1 $0x1082;
	[sflag:s4] =	ssyncset.s32 $0xFFFFF086  }
0x25: {  	[simem:s6], [sflag:s4] =	dma.local [hbm:s3], $0xF7A  }
0x26: {  	[smem:$0x3F9E] =	sst s1;
	(tag) =	ssettag s2;
	_ =	strace s9  }
0x27: {  	s1 =	sld [smem:$0x3FAE]  }
0x28: {  	s2 =	sld [smem:$0x3FAF]  }
0x29: {  	s4 =	sld [smem:$0x3FB1]  }
0x2a: {  	p0 =	seq.s32 s5, $0x0;
	s5 =	sld [smem:$0x3FB2]  }
0x2b: {  	s6 =	sld [smem:$0x3FB3]  }
0x2c: {  	s7 =	sld [smem:$0x3FB4]  }
0x2d: {  	s3 =	simm.s32 $0x108;
	s8 =	sld [smem:$0x3FB5]  }
0x2e: {  	s3 =	simm.s32 @!p0 $0x1082;
	s9 =	sld [smem:$0x3FB6]  }
0x2f: {  	lr =	sadd.s32 s0, s3;
	s0 =	sld [smem:$0x3FAD]  }
0x30: {  	s3 =	sld [smem:$0x3FB0]  }
0x31: {  	[smem:$0x3FB9] =	sst s10  }
0x32: {  	s10 =	sld [smem:$0x3FB7];
	_ =	sdelay $0x3  }
0x33: {  	p0 =	seq.s32 s10, $0x1;
	s10 =	sld [smem:$0x3FB9];
	_ =	sdelay $0x3  }
0x34: {  	[smem:$0x3FB9] =	sst s10  }
0x35: {  	s10 =	sld [smem:$0x3FB8];
	_ =	sdelay $0x3  }
0x36: {  	p1 =	seq.s32 s10, $0x1;
	s10 =	sld [smem:$0x3FB9];
	_ =	sdelay $0x3  }
0x37: {  	[smem:$0x3FB9] =	sst s10  }
0x38: {  	s10 =	sld [smem:$0x3FBA]  }
0x39: {  	_ = 	snop;
	(pc) =	sbr.ind lr, $3  }
0x3a: {  	_ = 	snop  }
0x3b: {  	_ = 	snop  }
0x3c: {  	p2 =	seq.s32 s10, $0x1;
	s10 =	sld [smem:$0x3FB9]  }
0x3d: {  	_ =	shalt  }
0x3e: {  	_ =	shalt  }
0x3f: {  	_ =	shalt  }
0x40: {  	_ =	shalt  }
0x41: {  	_ =	shalt  }
0x42: {  	_ =	shalt  }
0x43: {  	_ =	shalt  }
0x44: {  	_ =	shalt  }
0x45: {  	_ =	shalt  }
0x46: {  	_ =	shalt  }
0x47: {  	_ =	shalt  }
0x48: {  	_ =	shalt  }
0x49: {  	_ =	shalt  }
0x4a: {  	_ =	shalt  }
0x4b: {  	_ =	shalt  }
0x4c: {  	_ =	shalt  }
0x4d: {  	_ =	shalt  }
0x4e: {  	_ =	shalt  }
0x4f: {  	_ =	shalt  }
0x50: {  	_ =	shalt  }
0x51: {  	_ =	shalt  }
0x52: {  	_ =	shalt  }
0x53: {  	_ =	shalt  }
0x54: {  	_ =	shalt  }
0x55: {  	_ =	shalt  }
0x56: {  	_ =	shalt  }
0x57: {  	_ =	shalt  }
0x58: {  	_ =	shalt  }
0x59: {  	_ =	shalt  }
0x5a: {  	_ =	shalt  }
0x5b: {  	_ =	shalt  }
0x5c: {  	_ =	shalt  }
0x5d: {  	_ =	shalt  }
0x5e: {  	_ =	shalt  }
0x5f: {  	_ =	shalt  }
0x60: {  	_ =	shalt  }
0x61: {  	_ =	shalt  }
0x62: {  	_ =	shalt  }
0x63: {  	_ =	shalt  }
0x64: {  	_ =	shalt  }
0x65: {  	_ =	shalt  }
0x66: {  	_ =	shalt  }
0x67: {  	_ =	shalt  }
0x68: {  	_ =	shalt  }
0x69: {  	_ =	shalt  }
0x6a: {  	_ =	shalt  }
0x6b: {  	_ =	shalt  }
0x6c: {  	_ =	shalt  }
0x6d: {  	_ =	shalt  }
0x6e: {  	_ =	shalt  }
0x6f: {  	_ =	shalt  }
0x70: {  	_ =	shalt  }
0x71: {  	_ =	shalt  }
0x72: {  	_ =	shalt  }
0x73: {  	_ =	shalt  }
0x74: {  	_ =	shalt  }
0x75: {  	_ =	shalt  }
0x76: {  	_ =	shalt  }
0x77: {  	_ =	shalt  }
0x78: {  	_ =	shalt  }
0x79: {  	_ =	shalt  }
0x7a: {  	_ =	shalt  }
0x7b: {  	_ =	shalt  }
0x7c: {  	_ =	shalt  }
0x7d: {  	_ =	shalt  }
0x7e: {  	_ =	shalt  }
0x7f: {  	_ =	shalt  }
0x80: {  	_ =	shalt  }
0x81: {  	_ =	shalt  }
0x82: {  	_ =	shalt  }
0x83: {  	_ =	shalt  }
0x84: {  	_ =	shalt  }
0x85: {  	_ =	shalt  }
0x86: {  	_ =	shalt  }
0x87: {  	_ =	shalt  }
.Lfunc_end0:
.L_simem_size_0:
called_computation.1_lowered:
.L_overlay_start_0:
0x88: {  	s2 =	sld [smem:$0x3FD9]  }
0x89: {  	s3 =	sld [smem:$0x3FFE];
	_ =	sdelay $0x1  }
0x8a: {  	s1 =	srdreg.scid  }
0x8b: {  	s0 =	sand.u32 $0x1, s1  }
0x8c: {  	s14 =	sshll.u32 s0, $0xA;
	s2 =	sadd.s32 s3, s2  }
0x8d: {  	s2 =	sadd.s32 s2, s14  }
0x8e: {  	[smem:$0x3FC5] =	sst s2  }
0x8f: {  	_ = 	snop  }
0x90: {  	s2 =	sld [smem:$0x3FD0];
	_ =	sdelay $0x2  }
0x91: {  	s4 =	simm.s32 $0xA;
	s5 =	simm.s32 $0x10;
	s15 =	sld [smem:$0x3FC7]  }
0x92: {  	[smem:s5], [sflag:s4] =	dma.local [hbm:s2], $0x1  }
0x93: {  	_ =	swait.eq [sflag:s4], $0x1  }
0x94: {  	[sflag:s4] =	ssyncset.done $0x0  }
0x95: {  	[sflag:s4] =	ssyncadd.s32 $0xFFFFFFFF  }
0x96: {  	s16 =	sld [smem:$0x11];
	(tm) =	ssettm $0x1  }
0x97: {  	s17 =	sld [smem:$0x3FFB];
	_ =	sdelay $0x3  }
0x98: {  	_ =	strace s17  }
0x99: {  	s4 =	sld [smem:$0x3FFC];
	_ =	sdelay $0x3  }
0x9a: {  	_ =	strace s4  }
0x9b: {  	s4 =	sld [smem:$0x3FFD];
	_ =	sdelay $0x3  }
0x9c: {  	_ =	strace s4  }
0x9d: {  	_ =	strace $0x8FFFFFFF  }
0x9e: {  	s18 =	sld [smem:$0x3FDB];
	_ =	sdelay $0x1  }
0x9f: {  	s19 =	simm.s32 $_scs_section_size  }
0xa0: {  	s6 =	simm.s32 $_size__tile_overlayer_lowered;
	s7 =	simm.s32 $_tile_overlayer_lowered  }
0xa1: {  	s22 =	simm.s32 $0x1BFF;
	s21 =	sshll.u32 s7, $0x1;
	s4 =	sadd.s32 s19, s18  }
0xa2: {  	s8 =	simm.s32 $0x0;
	s20 =	sshll.u32 s6, $0x1;
	s6 =	sadd.s32 s21, s4  }
0xa3: {  	[timem:s8], [sflag:s22] =	dma.local [hbm:s6], s20  }
0xa4: {  	_ =	swait.ge [sflag:s22], s20  }
0xa5: {  	s5 =	ssub.s32 $0x0, s20;
	[sflag:s22] =	ssyncset.done $0x0  }
0xa6: {  	[sflag:s22] =	ssyncadd.s32 s5;
	_ =	sdelay $0x1  }
0xa7: {  	s23 =	simm.s32 $0x1B8B  }
0xa8: {  	_ =	swait.ge [sflag:s23], $0x1  }
0xa9: {  	[sflag:s23] =	ssyncset.done $0x0  }
0xaa: {  	s25 =	simm.s32 $0x1B8E;
	s24 =	sld [smem:$0x3FFE];
	[sflag:s23] =	ssyncadd.s32 $0xFFFFFFFF  }
0xab: {  	s26 =	simm.s32 $execute0_lowered;
	[smem:$0x3FD2] =	sst s25  }
0xac: {  	s6 =	sshll.u32 s26, $0x1;
	_ =	strace $0x80000049;
	[dreg:$0x1] =	wrdreg $0xFFFFFFFF  }
0xad: {  	s28 =	simm.s32 $_size_execute0_lowered;
	s4 =	sadd.s32 s4, s6;
	[dreg:$0x0] =	wrdreg $0x0  }
0xae: {  	s6 =	sshll.u32 s28, $0x1;
	[dreg:$0x2] =	wrdreg s4  }
0xaf: {  	[dreg:$0x3] =	wrdreg s6  }
0xb0: {  	[dreg:$0x4] =	wrdreg $0xC0  }
0xb1: {  	_ =	task [dreg:s8], $0x5FFFF  }
0xb2: {  	[dreg:$0x1] =	wrdreg $0xFFFFFFFF  }
0xb3: {  	[dreg:$0x0] =	wrdreg $0x60  }
0xb4: {  	[dreg:$0x2] =	wrdreg s24  }
0xb5: {  	[dreg:$0x3] =	wrdreg s15  }
0xb6: {  	[dreg:$0x4] =	wrdreg s16  }
0xb7: {  	[dreg:$0x5] =	wrdreg $0xC7800  }
0xb8: {  	[dreg:$0x6] =	wrdreg $0x9  }
0xb9: {  	_ =	task.clear_ibuf [dreg:s8], $0x7FFFF;
	_ =	strace $0x90000049  }
0xba: {  	s29 =	simm.s32 $0x9;
	_ =	strace $0x8000004B  }
0xbb: {  	_ =	swait.ge [sflag:s29], $0x1  }
0xbc: {  	[sflag:s29] =	ssyncadd.s32 $0xFFFFFFFF  }
0xbd: {  	_ =	strace $0x9000004B  }
0xbe: {  	_ =	sfence  }
0xbf: {  	s30 =	sld [smem:$0x0];
	_ =	sdelay $0x2  }
0xc0: {  	s31 =	sshll.u32 s1, $0xD;
	s1 =	sshrl.u32 s1, $0x2  }
0xc1: {  	s3 =	sand.u32 $0x4000, s31;
	s1 =	sadd.s32 s1, s30  }
0xc2: {  	s0 =	sor.u32 s3, s0;
	s1 =	sshll.u32 s1, $0x11  }
0xc3: {  	s0 =	sor.u32 s1, s0  }
0xc4: {  	s0 =	sadd.s32 $0x8F2B, s0  }
0xc5: {  	[sflag:s0] =	ssyncadd.remote.s32 $0x1  }
0xc6: {  	_ =	sfence.sel $0xFFFF  }
0xc7: {  	[dreg:$0x0] =	wrdreg $0xFFFFFFFF;
	(pc) =	sbr.abs _section_cstart, $3  }
0xc8: {  	[dreg:$0x1] =	wrdreg $0xFFFFFFFF  }
0xc9: {  	_ =	task.clear_ibuf [dreg:s8], $0x2FFFF;
	_ =	strace $0x9FFFFFFF  }
0xca: {  	(tm) =	ssettm $0x7FFFFFFF  }
0xcb: {  	_ =	shalt  }
tec
execute0_lowered:
.L_overlay_start_1:
0x0: {  	(tag) =	ssettag $0x1  }
0x1: {  	s0 =	rddreg [dreg:$0x0]  }
0x2: {  	s3 =	rddreg [dreg:$0x1]  }
0x3: {  	s5 =	rddreg [dreg:$0x2]  }
0x4: {  	s9 =	stileid.u32;
	s2 =	srdreg.scid  }
0x5: {  	s1 =	rddreg [dreg:$0x3];
	s13 =	simm.s32 $0x50;
	s14 =	simm.s32 $0x2780  }
0x6: {  	s15 =	simm.s32 $0x4F80;
	s17 =	simm.s32 $0x7780;
	s19 =	simm.s32 $0x9F80  }
0x7: {  	s28 =	simm.s32 $0x8;
	s29 =	simm.s32 $0x0;
	s4 =	smul.u32 $0x2700, s9  }
0x8: {  	s6 =	sand.u32 $0x1, s2;
	s20 =	sshll.u32 s9, $0x1;
	s12 =	smul.u32 $0x4E000, s9  }
0x9: {  	s2 =	simm.s32 $0x0;
	s23 =	smul.u32 $0x4E200, s9;
	s31 =	sshll.u32 s9, $0x6  }
0xa: {  	p0 =	sne.s32 s9, $0x0;
	s9 =	simm.s32 $0x9;
	s7 =	sor.u32 s6, s20  }
0xb: {  	s8 =	ssub.s32 $0x2, s6;
	[smem:$0x7FF] =	sst s2;
	s24 =	smul.u32 $0x27100, s6  }
0xc: {  	s20 =	simm.s32 $0x1;
	s10 =	smul.u32 $0x2710, s7;
	s11 =	sshrl.u32 s8, $0x1  }
0xd: {  	_ =	strace $0x8000004A;
	s4 =	sadd.s32 s4, s0;
	s21 =	sshrl.u32 s12, $0x2  }
0xe: {  	s7 =	smul.u32 $0x138800, s7;
	s12 =	sadd.s32 $0x138000, s1;
	s26 =	sadd.s32 s23, s5  }
0xf: {  	s0 =	sadd.s32 $0x28000, s0;
	s23 =	simm.s32 $0x4;
	s8 =	ssub.s32 s8, s11  }
0x10: {  	s22 =	sadd.s32 s21, s1;
	s4 =	sadd.s32 $0x1000, s4;
	[dreg:$0x7] =	wrdreg s0  }
0x11: {  	s30 =	sadd.s32 s24, s26;
	s12 =	sshrl.u32 @!p0 s12, $0x3;
	s21 =	simm.s32 $0x2  }
0x12: {  	s24 =	simm.s32 $0x5;
	s26 =	simm.s32 $0x7;
	s10 =	sshrl.u32 s10, $0x3  }
0x13: {  	[dreg:$0x6] =	wrdreg s4;
	s7 =	sshrl.u32 s7, $0x3;
	s11 =	sshrl.u32 s22, $0x3  }
0x14: {  	s22 =	simm.s32 $0x3;
	s3 =	sadd.s32 s3, s10;
	s25 =	sadd.s32 s5, s7  }
0x15: {  	s7 =	smax.u32 s8, $0x1;
	s8 =	sadd.s32 $0xF00, s30;
	s10 =	sor.u32 $0x1C09, s31  }
0x16: {  	[dreg:$0x5] =	wrdreg s3;
	s6 =	sadd.s32 $0x26C00, s25;
	s25 =	simm.s32 $0x6  }
.LBB2_1:
0x17: {  	s0 =	rddreg [dreg:$0x5]  }
0x18: {  	[tilespmem:s2], [sflag:$0x9] =	stream.linear.gather [hbm4b:s0+s2], $0x2710, $0x38;
	v63 =	vld [tilespmem:$0x0]  }
0x19: {  	_ =	swait.ge [sflag:s9], $0x2710  }
0x1a: {  	[sflag:s9] =	ssyncset.done $0x0  }
0x1b: {  	s16 =	rddreg [dreg:$0x6];
	[sflag:s9] =	ssyncadd.s32 $0xFFFFD8F0  }
0x1c: {  	[spmem:s11], [sflag:s10] =	dma.local [hbm:s16], $0x2700  }
0x1d: {  	_ =	swait.ge [sflag:s9], $0x2700  }
0x1e: {  	[sflag:s9] =	ssyncset.done $0x0  }
0x1f: {  	s0 =	rddreg [dreg:$0x7];
	[sflag:s9] =	ssyncadd.s32 $0xFFFFD900  }
0x20: {  	[spmem:s12], [sflag:s10] =	dma.local @!p0 [hbm:s0], $0x100  }
0x21: {  	s0 =	simm.s32 @!p0 $0x9  }
0x22: {  	_ =	swait.ge @!p0 [sflag:s0], $0x100  }
0x23: {  	[sflag:s0] =	ssyncset.done @!p0 $0x0  }
0x24: {  	[sflag:s0] =	ssyncadd.s32 @!p0 $0xFFFFFF00  }
0x25: {  	[bflag:$0x0] =	sbarrier.arrive $0xFFFF  }
0x26: {  	[tilespmem:s14], [sflag:$0x1] =	stream.indirect.gather [spmem:s1], $0x80, s2, s13, $0xb8;
	v63 =	vld [tilespmem:$0x0]  }
0x27: {  	_ = 	snop  }
0x28: {  	[tilespmem:s15], [sflag:$0x2] =	stream.indirect.gather [spmem:s1], $0x80, s13, s13, $0xb8;
	v63 =	vld [tilespmem:$0x0]  }
0x29: {  	s18 =	simm.s32 $0xA0  }
0x2a: {  	[tilespmem:s17], [sflag:$0x3] =	stream.indirect.gather [spmem:s1], $0x80, s18, s13, $0xb8;
	v63 =	vld [tilespmem:$0x0]  }
0x2b: {  	s3 =	simm.s32 $0xF0  }
0x2c: {  	[tilespmem:s19], [sflag:$0x4] =	stream.indirect.gather [spmem:s1], $0x80, s3, s13, $0xb8;
	v63 =	vld [tilespmem:$0x0]  }
0x2d: {  	_ =	swait.ge [sflag:s20], $0x2800  }
0x2e: {  	[sflag:s20] =	ssyncset.done $0x0  }
0x2f: {  	s4 =	sadd.s32 $0xFFFFF100, s8;
	[sflag:s20] =	ssyncadd.s32 $0xFFFFD800  }
0x30: {  	[hbm4b:s4+s2] =	stream.linear.scatter [tilespmem:s14], [sflag:$0x5], $0x2800, $0x38;
	v63 =	vld [tilespmem:$0x0]  }
0x31: {  	_ =	swait.ge [sflag:s21], $0x2800  }
0x32: {  	[sflag:s21] =	ssyncset.done $0x0  }
0x33: {  	s5 =	sadd.s32 $0xFFFFF600, s8;
	[sflag:s21] =	ssyncadd.s32 $0xFFFFD800  }
0x34: {  	[hbm4b:s5+s2] =	stream.linear.scatter [tilespmem:s15], [sflag:$0x6], $0x2800, $0x38;
	v63 =	vld [tilespmem:$0x0]  }
0x35: {  	_ =	swait.ge [sflag:s22], $0x2800  }
0x36: {  	[sflag:s22] =	ssyncset.done $0x0  }
0x37: {  	s16 =	sadd.s32 $0xFFFFFB00, s8;
	[sflag:s22] =	ssyncadd.s32 $0xFFFFD800  }
0x38: {  	[hbm4b:s16+s2] =	stream.linear.scatter [tilespmem:s17], [sflag:$0x7], $0x2800, $0x38;
	v63 =	vld [tilespmem:$0x0]  }
0x39: {  	_ =	swait.ge [sflag:s23], $0x2800  }
0x3a: {  	[sflag:s23] =	ssyncset.done $0x0  }
0x3b: {  	[sflag:s23] =	ssyncadd.s32 $0xFFFFD800  }
0x3c: {  	[hbm4b:s8+s2] =	stream.linear.scatter [tilespmem:s19], [sflag:$0x8], $0x2800, $0x38;
	v63 =	vld [tilespmem:$0x0]  }
0x3d: {  	_ =	swait.ge [sflag:s24], $0x2800  }
0x3e: {  	[sflag:s24] =	ssyncset.done $0x0  }
0x3f: {  	s18 =	simm.s32 $0x140;
	[sflag:s24] =	ssyncadd.s32 $0xFFFFD800  }
0x40: {  	[tilespmem:s14], [sflag:$0x1] =	stream.indirect.gather [spmem:s1], $0x80, s18, s13, $0xb8;
	v63 =	vld [tilespmem:$0x0]  }
0x41: {  	p1 =	por $0x0, $0x0;
	_ =	swait.ge [sflag:s25], $0x2800  }
0x42: {  	s0 =	simm.s32 @!p1 $0x4F80;
	[sflag:s25] =	ssyncset.done $0x0  }
0x43: {  	s3 =	simm.s32 @!p1 $0x190;
	s16 =	simm.s32 @!p1 $0x50;
	[sflag:s25] =	ssyncadd.s32 $0xFFFFD800  }
0x44: {  	[tilespmem:s0], [sflag:$0x2] =	stream.indirect.gather @!p1 [spmem:s1], $0x80, s3, s16, $0xb8;
	v63 =	vld [tilespmem:$0x0]  }
0x45: {  	p1 =	por $0x0, $0x0;
	_ =	swait.ge [sflag:s26], $0x2800  }
0x46: {  	s30 =	simm.s32 $0x500;
	s0 =	simm.s32 @!p1 $0x7780;
	[sflag:s26] =	ssyncset.done $0x0  }
0x47: {  	s3 =	simm.s32 @!p1 $0x1E0;
	s16 =	simm.s32 @!p1 $0x50;
	[sflag:s26] =	ssyncadd.s32 $0xFFFFD800  }
0x48: {  	[tilespmem:s0], [sflag:$0x3] =	stream.indirect.gather @!p1 [spmem:s1], $0x80, s3, s16, $0xb8;
	v63 =	vld [tilespmem:$0x0]  }
0x49: {  	s31 =	sadd.s32 $0x1400, s8;
	p2 =	por $0x0, $0x0;
	_ =	swait.ge [sflag:s28], $0x2800  }
0x4a: {  	s18 =	simm.s32 @!p2 $0x230;
	s0 =	simm.s32 $0xB;
	[sflag:s28] =	ssyncset.done $0x0  }
0x4b: {  	s16 =	simm.s32 @!p2 $0x9F80;
	s3 =	simm.s32 @!p2 $0x50;
	[sflag:s28] =	ssyncadd.s32 $0xFFFFD800  }
.LBB2_2:
0x4c: {  	[tilespmem:s16], [sflag:$0x4] =	stream.indirect.gather @!p2 [spmem:s1], $0x80, s18, s3, $0xb8;
	v63 =	vld [tilespmem:$0x0]  }
0x4d: {  	s16 =	smov.u32 s30;
	s30 =	sadd.s32 $0x500, s30  }
0x4e: {  	p1 =	sne.s32 s30, $0x9B00;
	_ =	swait.ge [sflag:s20], $0x2800  }
0x4f: {  	[sflag:s20] =	ssyncset.done $0x0  }
0x50: {  	s3 =	sadd.s32 $0xFFFFF100, s31;
	[sflag:s20] =	ssyncadd.s32 $0xFFFFD800  }
0x51: {  	[hbm4b:s3+s2] =	stream.linear.scatter [tilespmem:s14], [sflag:$0x5], $0x2800, $0x38;
	v63 =	vld [tilespmem:$0x0]  }
0x52: {  	_ =	swait.ge [sflag:s21], $0x2800  }
0x53: {  	[sflag:s21] =	ssyncset.done $0x0  }
0x54: {  	s3 =	sadd.s32 $0xFFFFF600, s31;
	[sflag:s21] =	ssyncadd.s32 $0xFFFFD800  }
0x55: {  	[hbm4b:s3+s2] =	stream.linear.scatter [tilespmem:s15], [sflag:$0x6], $0x2800, $0x38;
	v63 =	vld [tilespmem:$0x0]  }
0x56: {  	_ =	swait.ge [sflag:s22], $0x2800  }
0x57: {  	[sflag:s22] =	ssyncset.done $0x0  }
0x58: {  	s3 =	sadd.s32 $0xFFFFFB00, s31;
	[sflag:s22] =	ssyncadd.s32 $0xFFFFD800  }
0x59: {  	[hbm4b:s3+s2] =	stream.linear.scatter [tilespmem:s17], [sflag:$0x7], $0x2800, $0x38;
	v63 =	vld [tilespmem:$0x0]  }
0x5a: {  	_ =	swait.ge [sflag:s23], $0x2800  }
0x5b: {  	[sflag:s23] =	ssyncset.done $0x0  }
0x5c: {  	[sflag:s23] =	ssyncadd.s32 $0xFFFFD800  }
0x5d: {  	[hbm4b:s31+s2] =	stream.linear.scatter [tilespmem:s19], [sflag:$0x8], $0x2800, $0x38;
	v63 =	vld [tilespmem:$0x0]  }
0x5e: {  	_ =	swait.ge [sflag:s24], $0x2800  }
0x5f: {  	s3 =	sshra.s32 s16, $0x2;
	[sflag:s24] =	ssyncset.done $0x0  }
0x60: {  	s18 =	sadd.s32 $0xFFFFFFFE, s0;
	s3 =	sadd.s32 $0x140, s3;
	[sflag:s24] =	ssyncadd.s32 $0xFFFFD800  }
0x61: {  	[tilespmem:s14], [sflag:$0x1] =	stream.indirect.gather [spmem:s1], $0x80, s3, s13, $0xb8;
	v63 =	vld [tilespmem:$0x0]  }
0x62: {  	p2 =	sgt.u32 s18, $0x7C;
	s3 =	sadd.s32 $0xFFFFFFFF, s0;
	_ =	swait.ge [sflag:s25], $0x2800  }
0x63: {  	s18 =	sshra.s32 @!p2 s16, $0x2;
	s4 =	simm.s32 @!p2 $0x4F80;
	[sflag:s25] =	ssyncset.done $0x0  }
0x64: {  	s5 =	simm.s32 @!p2 $0x50;
	s18 =	sadd.s32 @!p2 $0x190, s18;
	[sflag:s25] =	ssyncadd.s32 $0xFFFFD800  }
0x65: {  	[tilespmem:s4], [sflag:$0x2] =	stream.indirect.gather @!p2 [spmem:s1], $0x80, s18, s5, $0xb8;
	v63 =	vld [tilespmem:$0x0]  }
0x66: {  	p2 =	sgt.u32 s3, $0x7C  }
0x67: {  	s31 =	sadd.s32 $0x1400, s31;
	_ =	swait.ge [sflag:s26], $0x2800;
	s3 =	sshra.s32 @!p2 s16, $0x2  }
0x68: {  	s4 =	simm.s32 @!p2 $0x7780;
	s5 =	simm.s32 @!p2 $0x50;
	[sflag:s26] =	ssyncset.done $0x0  }
.Ltmp0:
0x69: {  	s3 =	sadd.s32 @!p2 $0x1E0, s3;
	[sflag:s26] =	ssyncadd.s32 $0xFFFFD800;
	(pc) =	sbr.rel @p1 .LBB2_2-.Ltmp0, $4  }
0x6a: {  	[tilespmem:s4], [sflag:$0x3] =	stream.indirect.gather @!p2 [spmem:s1], $0x80, s3, s5, $0xb8;
	v63 =	vld [tilespmem:$0x0]  }
0x6b: {  	p2 =	sgt.u32 s0, $0x7C;
	s0 =	sadd.s32 $0x4, s0;
	_ =	swait.ge [sflag:s28], $0x2800  }
0x6c: {  	s3 =	sshra.s32 @!p2 s16, $0x2;
	s16 =	simm.s32 @!p2 $0x9F80;
	[sflag:s28] =	ssyncset.done $0x0  }
0x6d: {  	s18 =	sadd.s32 @!p2 $0x230, s3;
	s3 =	simm.s32 @!p2 $0x50;
	[sflag:s28] =	ssyncadd.s32 $0xFFFFD800  }
0x6e: {  	[tilespmem:s16], [sflag:$0x4] =	stream.indirect.gather @!p2 [spmem:s1], $0x80, s18, s3, $0xb8;
	v63 =	vld [tilespmem:$0x0]  }
0x6f: {  	s29 =	sadd.s32 $0x1, s29;
	_ =	swait.ge [sflag:s20], $0x2800  }
0x70: {  	p1 =	sne.s32 s29, s7;
	[sflag:s20] =	ssyncset.done $0x0  }
.Ltmp1:
0x71: {  	[sflag:s20] =	ssyncadd.s32 $0xFFFFD800;
	(pc) =	sbr.rel @p1 .LBB2_1-.Ltmp1, $4  }
0x72: {  	[hbm4b:s6+s2] =	stream.linear.scatter [tilespmem:s14], [sflag:$0x5], $0x2800, $0x38;
	v63 =	vld [tilespmem:$0x0]  }
0x73: {  	_ =	swait.ge [sflag:s24], $0x2800  }
0x74: {  	[sflag:s24] =	ssyncset.done $0x0  }
0x75: {  	[sflag:s24] =	ssyncadd.s32 $0xFFFFD800  }
0x76: {  	_ =	sfence.sel $0x180000  }
0x77: {  	[bflag:$0x0] =	sbarrier.arrive $0xFFFF  }
0x78: {  	_ =	strace $0x9000004A  }
0x79: {  	[bflag:$0x2] =	sbarrier.arrive $0xFFFF  }
0x7a: {  	s0 =	rddreg [dreg:$0x4]  }
0x7b: {  	s0 =	sadd.s32 @!p0 $0x100000, s0  }
0x7c: {  	[sflag:s0] =	ssyncadd.tile.s32 @!p0 $0x1;
	_ =	shalt  }
.Lfunc_end2:
_tile_overlayer_lowered:
.L_overlay_start_2:
0x7d: {  	(tag) =	ssettag $0x2  }
0x7e: {  	s0 =	rddreg [dreg:$0x0];
	s2 =	stileid.u32  }
0x7f: {  	s1 =	rddreg [dreg:$0x1];
	p0 =	sne.s32 s2, $0x0  }
0x80: {  	s3 =	rddreg [dreg:$0x2];
	[bflag:$0x3] =	sbarrier.arrive $0xFFFF;
	s2 =	simm.s32 @!p0 $0x1C09  }
0x81: {  	[timem:s3], [sflag:s2] =	dma.local @!p0 [hbm:s0], s1  }
0x82: {  	s0 =	simm.s32 @!p0 $0x9  }
0x83: {  	_ =	swait.ge @!p0 [sflag:s0], s1  }
0x84: {  	s1 =	ssub.s32 @!p0 $0x0, s1;
	[sflag:s0] =	ssyncset.done @!p0 $0x0  }
0x85: {  	[sflag:s0] =	ssyncadd.s32 @!p0 s1  }
0x86: {  	[bflag:$0x3] =	sbarrier.arrive $0xFFFF  }
0x87: {  	_ =	shalt  }

</sc_bundles>
